<compile_context>
chip_gen: v7x
topology: tpu7x:2x2x1
jax: 0.10.2.dev20260603
libtpu: 0.0.44.dev20260713+nightly
codegen_flags: <defaults>
</compile_context>

<pallas_src>
import functools

import jax
import jax.numpy as jnp
from jax import lax
from jax.experimental import pallas as pl
from jax.experimental.pallas import tpu as pltpu
from jax.experimental.pallas import tpu_sc as plsc

N = 10000
E = 320000
D = 128
G = 16
NP = 10240

NC = 2
NS = 16
NW = NC * NS
L = 16

EPW = E // NW
DCH = 80
DNCH = EPW // DCH
RPT = NP // NS

EPS = E // NS
CH = 80
NCH = EPS // CH
HALF = NP // NC
TRASH = HALF
HALFP = HALF + CH
RPC = HALF // NS


def _deg_body(dst_hbm, out_hbm, didx, hist, outst, red, shared):
    c = lax.axis_index("c")
    s = lax.axis_index("s")
    w = s * NC + c
    pltpu.sync_copy(dst_hbm.at[w], didx)

    zero16 = jnp.zeros((L,), jnp.float32)
    ones16 = jnp.full((L,), 1.0, jnp.float32)

    def _zero(i, carry):
        hist[pl.ds(i * L, L)] = zero16
        return carry
    lax.fori_loop(0, NP // L, _zero, 0)

    def _count(r, carry):
        def _inner(cc, carry2):
            idx = didx[r, pl.ds(cc * L, L)]
            plsc.addupdate_scatter(hist, [idx], ones16)
            return carry2
        return lax.fori_loop(0, DCH // L, _inner, carry)
    lax.fori_loop(0, DNCH, _count, 0)

    pltpu.sync_copy(hist, shared.at[s])
    plsc.subcore_barrier()
    base = s * RPT
    pltpu.sync_copy(shared.at[:, pl.ds(base, RPT)], red)

    def _reduce(j, carry):
        acc = jnp.zeros((L,), jnp.float32)
        for r in range(NS):
            acc = acc + red[r, pl.ds(j * L, L)]
        outst[pl.ds(j * L, L)] = acc
        return carry
    lax.fori_loop(0, RPT // L, _reduce, 0)
    pltpu.sync_copy(outst, out_hbm.at[c, pl.ds(base, RPT)])


def _agg_body(src_hbm, dst_hbm, tab_hbm, out_hbm,
              sidx, didx, rows_a, rows_b, acc, sem_a, sem_b):
    c = lax.axis_index("c")
    s = lax.axis_index("s")
    base = s * RPC

    zero16 = jnp.zeros((L,), jnp.float32)

    def _zfill(i, carry):
        r = i // (D // L)
        col = (i % (D // L)) * L
        rows_a[r, pl.ds(col, L)] = zero16
        return carry
    lax.fori_loop(0, CH * (D // L), _zfill, 0)

    for i in range(RPC // CH):
        pltpu.sync_copy(rows_a, acc.at[pl.ds(base + i * CH, CH)])

    @pl.when(s == 0)
    def _():
        pltpu.sync_copy(rows_a, acc.at[pl.ds(HALF, CH)])

    pltpu.sync_copy(src_hbm.at[s], sidx)
    pltpu.sync_copy(dst_hbm.at[s], didx)

    lo = c * HALF

    def _remap(r, carry):
        for cc in range(CH // L):
            g = didx[r, pl.ds(cc * L, L)] - lo
            ok = (g >= 0) & (g < HALF)
            didx[r, pl.ds(cc * L, L)] = jnp.where(ok, g, TRASH)
        return carry
    lax.fori_loop(0, NCH, _remap, 0)

    plsc.subcore_barrier()

    pltpu.async_copy(tab_hbm.at[sidx.at[0]], rows_a, sem_a)

    def _pair(t, carry):
        j = 2 * t
        pltpu.make_async_copy(tab_hbm.at[sidx.at[j]], rows_a, sem_a).wait()
        pltpu.async_copy(tab_hbm.at[sidx.at[j + 1]], rows_b, sem_b)
        pltpu.sync_copy(rows_a, acc.at[didx.at[j]], add=True)
        pltpu.make_async_copy(tab_hbm.at[sidx.at[j + 1]], rows_b, sem_b).wait()
        @pl.when(t + 1 < NCH // 2)
        def _():
            pltpu.async_copy(tab_hbm.at[sidx.at[j + 2]], rows_a, sem_a)
        pltpu.sync_copy(rows_b, acc.at[didx.at[j + 1]], add=True)
        return carry
    lax.fori_loop(0, NCH // 2, _pair, 0)

    plsc.subcore_barrier()
    pltpu.sync_copy(acc.at[pl.ds(base, RPC)],
                    out_hbm.at[pl.ds(c * HALF + base, RPC)])


BLK = 2048
NBLK = NP // BLK


def _prep_body(x_ref, w1_ref, p0_ref, p1_ref, o_ref):
    dinv = lax.rsqrt(1.0 + p0_ref[...] + p1_ref[...])
    h = jnp.dot(x_ref[...], w1_ref[...], preferred_element_type=jnp.float32)
    o_ref[...] = h * dinv


def _mid_body(a_ref, t1_ref, p0_ref, p1_ref, b1_ref, w2_ref, o_ref):
    dinv = lax.rsqrt(1.0 + p0_ref[...] + p1_ref[...])
    z = dinv * (a_ref[...] + t1_ref[...]) + b1_ref[...]
    z = jnp.maximum(z, 0.0)
    o_ref[...] = jnp.dot(z, w2_ref[...], preferred_element_type=jnp.float32) * dinv


def _fin_body(a_ref, t2_ref, p0_ref, p1_ref, b2_ref, br_ref,
              wc_ref, bc_ref, o_ref, sums, cnt):
    i = pl.program_id(0)

    @pl.when(i == 0)
    def _():
        sums[...] = jnp.zeros_like(sums)
        cnt[...] = jnp.zeros_like(cnt)

    dinv = lax.rsqrt(1.0 + p0_ref[...] + p1_ref[...])
    z = dinv * (a_ref[...] + t2_ref[...]) + b2_ref[...]
    ids = lax.broadcasted_iota(jnp.int32, (G, BLK), 0)
    oh = (ids == br_ref[...]).astype(jnp.float32)
    sums[...] += jnp.dot(oh, z, preferred_element_type=jnp.float32)
    cnt[...] += jnp.sum(oh, axis=1, keepdims=True)

    @pl.when(i == pl.num_programs(0) - 1)
    def _():
        pooled = sums[...] / jnp.maximum(cnt[...], 1.0)
        o_ref[...] = (jnp.dot(pooled, wc_ref[...],
                              preferred_element_type=jnp.float32) + bc_ref[...])


def _row_spec(width):
    return pl.BlockSpec((BLK, width), lambda i: (i, 0))


def _const_spec(shape):
    return pl.BlockSpec(shape, lambda i: tuple(0 for _ in shape))


@functools.lru_cache(maxsize=2)
def _tc_kernels(interpret: bool = False):
    prep = pl.pallas_call(
        _prep_body,
        grid=(NBLK,),
        in_specs=[_row_spec(D), _const_spec((D, D)), _row_spec(1),
                  _row_spec(1)],
        out_specs=_row_spec(D),
        out_shape=jax.ShapeDtypeStruct((NP, D), jnp.float32),
        interpret=interpret,
    )
    mid = pl.pallas_call(
        _mid_body,
        grid=(NBLK,),
        in_specs=[_row_spec(D), _row_spec(D), _row_spec(1), _row_spec(1),
                  _const_spec((1, D)), _const_spec((D, D))],
        out_specs=_row_spec(D),
        out_shape=jax.ShapeDtypeStruct((NP, D), jnp.float32),
        interpret=interpret,
    )
    fin = pl.pallas_call(
        _fin_body,
        grid=(NBLK,),
        in_specs=[_row_spec(D), _row_spec(D), _row_spec(1), _row_spec(1),
                  _const_spec((1, D)),
                  pl.BlockSpec((1, BLK), lambda i: (0, i)),
                  _const_spec((D, 2)), _const_spec((1, 2))],
        out_specs=_const_spec((G, 2)),
        out_shape=jax.ShapeDtypeStruct((G, 2), jnp.float32),
        scratch_shapes=[pltpu.VMEM((G, D), jnp.float32),
                        pltpu.VMEM((G, 1), jnp.float32)],
        interpret=interpret,
    )
    return prep, mid, fin


@functools.lru_cache(maxsize=1)
def _sc_kernels():
    mesh = plsc.VectorSubcoreMesh(core_axis_name="c", subcore_axis_name="s",
                                  num_cores=NC, num_subcores=NS)
    deg = pl.kernel(
        _deg_body,
        out_type=jax.ShapeDtypeStruct((NC, NP), jnp.float32),
        mesh=mesh,
        compiler_params=pltpu.CompilerParams(needs_layout_passes=False),
        scratch_types=[
            pltpu.VMEM((DNCH, DCH), jnp.int32),
            pltpu.VMEM((NP,), jnp.float32),
            pltpu.VMEM((RPT,), jnp.float32),
            pltpu.VMEM((NS, RPT), jnp.float32),
            pltpu.VMEM_SHARED((NS, NP), jnp.float32),
        ],
    )
    agg = pl.kernel(
        _agg_body,
        out_type=jax.ShapeDtypeStruct((NP, D), jnp.float32),
        mesh=mesh,
        compiler_params=pltpu.CompilerParams(needs_layout_passes=False),
        scratch_types=[
            pltpu.VMEM((NCH, CH), jnp.int32),
            pltpu.VMEM((NCH, CH), jnp.int32),
            pltpu.VMEM((CH, D), jnp.float32),
            pltpu.VMEM((CH, D), jnp.float32),
            pltpu.VMEM_SHARED((HALFP, D), jnp.float32),
            pltpu.SemaphoreType.DMA,
            pltpu.SemaphoreType.DMA,
        ],
    )
    return deg, agg


def kernel(x, edge_index, batch, W1, b1, W2, b2, Wc, bc):
    _deg_kernel, _agg_kernel = _sc_kernels()
    _prep_call, _mid_call, _fin_call = _tc_kernels()
    xp = jnp.pad(x, ((0, NP - N), (0, 0)))
    src2 = edge_index[0].reshape(NS, NCH, CH)
    dst2 = edge_index[1].reshape(NS, NCH, CH)
    dst3d = edge_index[1].reshape(NW, DNCH, DCH)
    batch_row = jnp.pad(batch, (0, NP - N), constant_values=G).reshape(1, NP)
    batch_row = batch_row.astype(jnp.int32)

    degp = _deg_kernel(dst3d)
    p0 = degp[0].reshape(NP, 1)
    p1 = degp[1].reshape(NP, 1)

    t1 = _prep_call(xp, W1, p0, p1)
    a1 = _agg_kernel(src2, dst2, t1)
    t2 = _mid_call(a1, t1, p0, p1, b1.reshape(1, D), W2)
    a2 = _agg_kernel(src2, dst2, t2)
    out = _fin_call(a2, t2, p0, p1, b2.reshape(1, D),
                    batch_row, Wc, bc.reshape(1, 2))
    return out

# --- scband reference (transcript-rebuilt; emitter-appended) ---
"""Pipeline reference for scband-hpnf-11089605559135 (READ-ONLY COPY).

The authoritative reference and input builder live on the scoring server;
editing this copy changes nothing except your own understanding.
"""

import jax, jax.numpy as jnp
import numpy as np

N = 10000
E = 320000
D = 128
H = 128
G = 16


def setup_inputs(seed: int = 0) -> dict:
    key = jax.random.key(seed)
    ks = jax.random.split(key, 10)
    x = jax.random.normal(ks[0], (N, D), dtype=jnp.float32)
    edge_index = jax.random.randint(ks[1], (2, E), 0, N)
    batch = jnp.sort(jax.random.randint(ks[2], (N,), 0, G))
    W1 = jax.random.normal(ks[3], (D, H), dtype=jnp.float32) * (1.0 / np.sqrt(D))
    b1 = jnp.zeros((H,), dtype=jnp.float32)
    W2 = jax.random.normal(ks[4], (H, H), dtype=jnp.float32) * (1.0 / np.sqrt(H))
    b2 = jnp.zeros((H,), dtype=jnp.float32)
    Wc = jax.random.normal(ks[5], (H, 2), dtype=jnp.float32) * (1.0 / np.sqrt(H))
    bc = jnp.zeros((2,), dtype=jnp.float32)
    return {"x": x, "edge_index": edge_index, "batch": batch,
            "W1": W1, "b1": b1, "W2": W2, "b2": b2, "Wc": Wc, "bc": bc}


def _gcn_conv(x, edge_index, W, b):
    # GCNConv: D^{-1/2} (A + I) D^{-1/2} X W + b  (symmetric normalization,
    # self-loops added, as in torch_geometric defaults)
    n = x.shape[0]
    src = edge_index[0]
    dst = edge_index[1]
    loop = jnp.arange(n, dtype=src.dtype)
    s = jnp.concatenate([src, loop])
    d = jnp.concatenate([dst, loop])
    deg = jnp.zeros((n,), dtype=x.dtype).at[d].add(1.0)
    dinv = jax.lax.rsqrt(deg)
    norm = dinv[s] * dinv[d]
    h = x @ W
    msg = h[s] * norm[:, None]
    out = jnp.zeros((n, h.shape[1]), dtype=h.dtype).at[d].add(msg)
    return out + b


def reference(x, edge_index, batch, W1, b1, W2, b2, Wc, bc):
    # dropout inactive (eval mode)
    h = jax.nn.relu(_gcn_conv(x, edge_index, W1, b1))
    h = _gcn_conv(h, edge_index, W2, b2)
    # global_mean_pool over graph ids in `batch`
    sums = jax.ops.segment_sum(h, batch, num_segments=G)
    cnt = jax.ops.segment_sum(jnp.ones((h.shape[0],), dtype=h.dtype), batch, num_segments=G)
    pooled = sums / jnp.maximum(cnt, 1.0)[:, None]
    out = pooled @ Wc + bc
    return out

if __name__ == "__main__":
    import jax
    _d = setup_inputs()
    print(jax.jit(kernel)(*tuple(_d.values())))

</pallas_src>

<mosaic_0001>
#map = affine_map<(d0, d1) -> (0, 0, 0)>
#map1 = affine_map<(d0, d1) -> (0, 0)>
module attributes {stable_mosaic.version = 14 : i64} {
  func.func @_agg_body(%arg0: i32, %arg1: i32, %arg2: memref<16x250x80xi32, #tpu.memory_space<hbm>>, %arg3: memref<16x250x80xi32, #tpu.memory_space<hbm>>, %arg4: memref<10240x128xf32, #tpu.memory_space<hbm>>, %arg5: memref<10240x128xf32, #tpu.memory_space<hbm>>, %arg6: memref<250x80xi32, #tpu.memory_space<vmem>>, %arg7: memref<250x80xi32, #tpu.memory_space<vmem>>, %arg8: memref<80x128xf32, #tpu.memory_space<vmem>>, %arg9: memref<80x128xf32, #tpu.memory_space<vmem>>, %arg10: memref<5200x128xf32, #tpu.memory_space<vmem_shared>>, %arg11: memref<!tpu.dma_semaphore, #tpu.memory_space<semaphore_mem>>, %arg12: memref<!tpu.dma_semaphore, #tpu.memory_space<semaphore_mem>>) attributes {dimension_semantics = [#tpu.dimension_semantics<core_parallel>, #tpu.dimension_semantics<subcore_parallel>], iteration_bounds = array<i64: 2, 16>, scalar_prefetch = 0 : i64, scratch_operands = 7 : i64, tpu.core_type = #tpu.core_type<sc_vector_subcore>, window_params = [{transform_indices = #map}, {transform_indices = #map}, {transform_indices = #map1}, {transform_indices = #map1}]} {
    %mul3A = arith.constant 320 : i32
    %mul3A_0 = arith.muli %arg1, %mul3A : i32
    %broadcast_in_dim3A = arith.constant 0.000000e+00 : f32
    %broadcast_in_dim3A_1 = vector.broadcast %broadcast_in_dim3A : f32 to vector<16xf32>
    %scan3A = arith.constant 0 : i32
    %scan3A_2 = arith.constant 0 : i32
    %scan3A_3 = arith.constant 640 : i32
    %scan3A_4 = arith.addi %scan3A_2, %scan3A_3 : i32
    %scan3A_5 = arith.constant 1 : i32
    scf.for %scan3A_40 = %scan3A_2 to %scan3A_4 step %scan3A_5  : i32 {
      %jit3A = arith.constant 8 : i32
      %div3A = arith.divsi %scan3A_40, %jit3A : i32
      %sign3A = arith.constant 0 : i32
      %sign3A_41 = arith.cmpi sgt, %scan3A_40, %sign3A : i32
      %sign3A_42 = arith.extui %sign3A_41 : i1 to i32
      %sign3A_43 = arith.constant 0 : i32
      %sign3A_44 = arith.cmpi slt, %scan3A_40, %sign3A_43 : i32
      %sign3A_45 = arith.extui %sign3A_44 : i1 to i32
      %sign3A_46 = arith.subi %sign3A_42, %sign3A_45 : i32
      %sign3A_47 = arith.constant 0 : i32
      %sign3A_48 = arith.cmpi sgt, %jit3A, %sign3A_47 : i32
      %sign3A_49 = arith.extui %sign3A_48 : i1 to i32
      %sign3A_50 = arith.constant 0 : i32
      %sign3A_51 = arith.cmpi slt, %jit3A, %sign3A_50 : i32
      %sign3A_52 = arith.extui %sign3A_51 : i1 to i32
      %sign3A_53 = arith.subi %sign3A_49, %sign3A_52 : i32
      %ne3A = arith.cmpi ne, %sign3A_46, %sign3A_53 : i32
      %rem3A = arith.remsi %scan3A_40, %jit3A : i32
      %ne3A_54 = arith.constant 0 : i32
      %ne3A_55 = arith.cmpi ne, %rem3A, %ne3A_54 : i32
      %and3A = arith.andi %ne3A, %ne3A_55 : i1
      %sub3A = arith.constant 1 : i32
      %sub3A_56 = arith.subi %div3A, %sub3A : i32
      %select_n3A = arith.select %and3A, %sub3A_56, %div3A : i32
      %jit3A_57 = arith.constant 8 : i32
      %eq3A_58 = arith.constant 0 : i32
      %eq3A_59 = arith.cmpi eq, %jit3A_57, %eq3A_58 : i32
      %jit3A_60 = arith.constant 1 : i32
      %select_n3A_61 = arith.select %eq3A_59, %jit3A_60, %jit3A_57 : i32
      %rem3A_62 = arith.remsi %scan3A_40, %select_n3A_61 : i32
      %ne3A_63 = arith.constant 0 : i32
      %ne3A_64 = arith.cmpi ne, %rem3A_62, %ne3A_63 : i32
      %lt3A = arith.constant 0 : i32
      %lt3A_65 = arith.cmpi slt, %rem3A_62, %lt3A : i32
      %lt3A_66 = arith.constant 0 : i32
      %lt3A_67 = arith.cmpi slt, %select_n3A_61, %lt3A_66 : i32
      %ne3A_68 = arith.xori %lt3A_65, %lt3A_67 : i1
      %and3A_69 = arith.andi %ne3A_68, %ne3A_64 : i1
      %add3A_70 = arith.addi %rem3A_62, %select_n3A_61 : i32
      %select_n3A_71 = arith.select %and3A_69, %add3A_70, %rem3A_62 : i32
      %mul3A_72 = arith.constant 16 : i32
      %mul3A_73 = arith.muli %select_n3A_71, %mul3A_72 : i32
      %swap3A = arith.index_cast %select_n3A : i32 to index
      %swap3A_74 = arith.index_cast %mul3A_73 : i32 to index
      %swap3A_75 = tpu.vector_load %arg8[%swap3A, %swap3A_74] {strides = array<i32>} : memref<80x128xf32, #tpu.memory_space<vmem>>, vector<16xf32>,
      tpu.vector_store %arg8[%swap3A, %swap3A_74], %broadcast_in_dim3A_1 {strides = array<i32>} : memref<80x128xf32, #tpu.memory_space<vmem>>, vector<16xf32>,
    }
    %scan3A_6 = arith.constant 640 : i32
    %add3A = arith.constant 0 : i32
    %add3A_7 = arith.addi %mul3A_0, %add3A : i32
    "tpu.region"() ({
      %run_scoped3A = tpu.sem_alloc : memref<!tpu.dma_semaphore, #tpu.memory_space<semaphore_mem>>
      %dma_start3A_40 = arith.constant 0 : i32
      %dma_start3A_41 = tpu.memref_slice %arg10[%add3A_7, %dma_start3A_40] : memref<5200x128xf32, #tpu.memory_space<vmem_shared>> -> memref<80x128xf32, #tpu.memory_space<vmem_shared>>
      %dma_start3A_42 = arith.constant 0 : i32
      %dma_start3A_43 = tpu.memref_slice %arg10[%add3A_7, %dma_start3A_42] : memref<5200x128xf32, #tpu.memory_space<vmem_shared>> -> memref<80x128xf32, #tpu.memory_space<vmem_shared>>
      tpu.enqueue_dma source(%arg8 : memref<80x128xf32, #tpu.memory_space<vmem>>) target(%dma_start3A_43 : memref<80x128xf32, #tpu.memory_space<vmem_shared>>) target_semaphore(%run_scoped3A : memref<!tpu.dma_semaphore, #tpu.memory_space<semaphore_mem>>)
      %dma_wait3A = arith.constant 0 : i32
      %dma_wait3A_44 = tpu.memref_slice %arg10[%add3A_7, %dma_wait3A] : memref<5200x128xf32, #tpu.memory_space<vmem_shared>> -> memref<80x128xf32, #tpu.memory_space<vmem_shared>>
      %dma_wait3A_45 = arith.constant 0 : i32
      %dma_wait3A_46 = tpu.memref_slice %arg10[%add3A_7, %dma_wait3A_45] : memref<5200x128xf32, #tpu.memory_space<vmem_shared>> -> memref<80x128xf32, #tpu.memory_space<vmem_shared>>
      tpu.wait_dma2 semaphore(%run_scoped3A : memref<!tpu.dma_semaphore, #tpu.memory_space<semaphore_mem>>) src(%arg8 : memref<80x128xf32, #tpu.memory_space<vmem>>) dst(%dma_wait3A_46 : memref<80x128xf32, #tpu.memory_space<vmem_shared>>)
      tpu.yield
    }) : () -> ()
    %add3A_8 = arith.constant 80 : i32
    %add3A_9 = arith.addi %mul3A_0, %add3A_8 : i32
    "tpu.region"() ({
      %run_scoped3A = tpu.sem_alloc : memref<!tpu.dma_semaphore, #tpu.memory_space<semaphore_mem>>
      %dma_start3A_40 = arith.constant 0 : i32
      %dma_start3A_41 = tpu.memref_slice %arg10[%add3A_9, %dma_start3A_40] : memref<5200x128xf32, #tpu.memory_space<vmem_shared>> -> memref<80x128xf32, #tpu.memory_space<vmem_shared>>
      %dma_start3A_42 = arith.constant 0 : i32
      %dma_start3A_43 = tpu.memref_slice %arg10[%add3A_9, %dma_start3A_42] : memref<5200x128xf32, #tpu.memory_space<vmem_shared>> -> memref<80x128xf32, #tpu.memory_space<vmem_shared>>
      tpu.enqueue_dma source(%arg8 : memref<80x128xf32, #tpu.memory_space<vmem>>) target(%dma_start3A_43 : memref<80x128xf32, #tpu.memory_space<vmem_shared>>) target_semaphore(%run_scoped3A : memref<!tpu.dma_semaphore, #tpu.memory_space<semaphore_mem>>)
      %dma_wait3A = arith.constant 0 : i32
      %dma_wait3A_44 = tpu.memref_slice %arg10[%add3A_9, %dma_wait3A] : memref<5200x128xf32, #tpu.memory_space<vmem_shared>> -> memref<80x128xf32, #tpu.memory_space<vmem_shared>>
      %dma_wait3A_45 = arith.constant 0 : i32
      %dma_wait3A_46 = tpu.memref_slice %arg10[%add3A_9, %dma_wait3A_45] : memref<5200x128xf32, #tpu.memory_space<vmem_shared>> -> memref<80x128xf32, #tpu.memory_space<vmem_shared>>
      tpu.wait_dma2 semaphore(%run_scoped3A : memref<!tpu.dma_semaphore, #tpu.memory_space<semaphore_mem>>) src(%arg8 : memref<80x128xf32, #tpu.memory_space<vmem>>) dst(%dma_wait3A_46 : memref<80x128xf32, #tpu.memory_space<vmem_shared>>)
      tpu.yield
    }) : () -> ()
    %add3A_10 = arith.constant 160 : i32
    %add3A_11 = arith.addi %mul3A_0, %add3A_10 : i32
    "tpu.region"() ({
      %run_scoped3A = tpu.sem_alloc : memref<!tpu.dma_semaphore, #tpu.memory_space<semaphore_mem>>
      %dma_start3A_40 = arith.constant 0 : i32
      %dma_start3A_41 = tpu.memref_slice %arg10[%add3A_11, %dma_start3A_40] : memref<5200x128xf32, #tpu.memory_space<vmem_shared>> -> memref<80x128xf32, #tpu.memory_space<vmem_shared>>
      %dma_start3A_42 = arith.constant 0 : i32
      %dma_start3A_43 = tpu.memref_slice %arg10[%add3A_11, %dma_start3A_42] : memref<5200x128xf32, #tpu.memory_space<vmem_shared>> -> memref<80x128xf32, #tpu.memory_space<vmem_shared>>
      tpu.enqueue_dma source(%arg8 : memref<80x128xf32, #tpu.memory_space<vmem>>) target(%dma_start3A_43 : memref<80x128xf32, #tpu.memory_space<vmem_shared>>) target_semaphore(%run_scoped3A : memref<!tpu.dma_semaphore, #tpu.memory_space<semaphore_mem>>)
      %dma_wait3A = arith.constant 0 : i32
      %dma_wait3A_44 = tpu.memref_slice %arg10[%add3A_11, %dma_wait3A] : memref<5200x128xf32, #tpu.memory_space<vmem_shared>> -> memref<80x128xf32, #tpu.memory_space<vmem_shared>>
      %dma_wait3A_45 = arith.constant 0 : i32
      %dma_wait3A_46 = tpu.memref_slice %arg10[%add3A_11, %dma_wait3A_45] : memref<5200x128xf32, #tpu.memory_space<vmem_shared>> -> memref<80x128xf32, #tpu.memory_space<vmem_shared>>
      tpu.wait_dma2 semaphore(%run_scoped3A : memref<!tpu.dma_semaphore, #tpu.memory_space<semaphore_mem>>) src(%arg8 : memref<80x128xf32, #tpu.memory_space<vmem>>) dst(%dma_wait3A_46 : memref<80x128xf32, #tpu.memory_space<vmem_shared>>)
      tpu.yield
    }) : () -> ()
    %add3A_12 = arith.constant 240 : i32
    %add3A_13 = arith.addi %mul3A_0, %add3A_12 : i32
    "tpu.region"() ({
      %run_scoped3A = tpu.sem_alloc : memref<!tpu.dma_semaphore, #tpu.memory_space<semaphore_mem>>
      %dma_start3A_40 = arith.constant 0 : i32
      %dma_start3A_41 = tpu.memref_slice %arg10[%add3A_13, %dma_start3A_40] : memref<5200x128xf32, #tpu.memory_space<vmem_shared>> -> memref<80x128xf32, #tpu.memory_space<vmem_shared>>
      %dma_start3A_42 = arith.constant 0 : i32
      %dma_start3A_43 = tpu.memref_slice %arg10[%add3A_13, %dma_start3A_42] : memref<5200x128xf32, #tpu.memory_space<vmem_shared>> -> memref<80x128xf32, #tpu.memory_space<vmem_shared>>
      tpu.enqueue_dma source(%arg8 : memref<80x128xf32, #tpu.memory_space<vmem>>) target(%dma_start3A_43 : memref<80x128xf32, #tpu.memory_space<vmem_shared>>) target_semaphore(%run_scoped3A : memref<!tpu.dma_semaphore, #tpu.memory_space<semaphore_mem>>)
      %dma_wait3A = arith.constant 0 : i32
      %dma_wait3A_44 = tpu.memref_slice %arg10[%add3A_13, %dma_wait3A] : memref<5200x128xf32, #tpu.memory_space<vmem_shared>> -> memref<80x128xf32, #tpu.memory_space<vmem_shared>>
      %dma_wait3A_45 = arith.constant 0 : i32
      %dma_wait3A_46 = tpu.memref_slice %arg10[%add3A_13, %dma_wait3A_45] : memref<5200x128xf32, #tpu.memory_space<vmem_shared>> -> memref<80x128xf32, #tpu.memory_space<vmem_shared>>
      tpu.wait_dma2 semaphore(%run_scoped3A : memref<!tpu.dma_semaphore, #tpu.memory_space<semaphore_mem>>) src(%arg8 : memref<80x128xf32, #tpu.memory_space<vmem>>) dst(%dma_wait3A_46 : memref<80x128xf32, #tpu.memory_space<vmem_shared>>)
      tpu.yield
    }) : () -> ()
    %eq3A = arith.constant 0 : i32
    %eq3A_14 = arith.cmpi eq, %arg1, %eq3A : i32
    %convert_element_type3A = arith.extui %eq3A_14 : i1 to i32
    %cond3A = arith.constant 0 : i32
    %cond3A_15 = arith.cmpi ne, %convert_element_type3A, %cond3A : i32
    scf.if %cond3A_15 {
      "tpu.region"() ({
        %run_scoped3A = tpu.sem_alloc : memref<!tpu.dma_semaphore, #tpu.memory_space<semaphore_mem>>
        %dma_start3A_40 = arith.constant 5120 : i32
        %dma_start3A_41 = arith.constant 0 : i32
        %dma_start3A_42 = tpu.memref_slice %arg10[%dma_start3A_40, %dma_start3A_41] : memref<5200x128xf32, #tpu.memory_space<vmem_shared>> -> memref<80x128xf32, #tpu.memory_space<vmem_shared>>
        %dma_start3A_43 = arith.constant 5120 : i32
        %dma_start3A_44 = arith.constant 0 : i32
        %dma_start3A_45 = tpu.memref_slice %arg10[%dma_start3A_43, %dma_start3A_44] : memref<5200x128xf32, #tpu.memory_space<vmem_shared>> -> memref<80x128xf32, #tpu.memory_space<vmem_shared>>
        tpu.enqueue_dma source(%arg8 : memref<80x128xf32, #tpu.memory_space<vmem>>) target(%dma_start3A_45 : memref<80x128xf32, #tpu.memory_space<vmem_shared>>) target_semaphore(%run_scoped3A : memref<!tpu.dma_semaphore, #tpu.memory_space<semaphore_mem>>)
        %dma_wait3A = arith.constant 5120 : i32
        %dma_wait3A_46 = arith.constant 0 : i32
        %dma_wait3A_47 = tpu.memref_slice %arg10[%dma_wait3A, %dma_wait3A_46] : memref<5200x128xf32, #tpu.memory_space<vmem_shared>> -> memref<80x128xf32, #tpu.memory_space<vmem_shared>>
        %dma_wait3A_48 = arith.constant 5120 : i32
        %dma_wait3A_49 = arith.constant 0 : i32
        %dma_wait3A_50 = tpu.memref_slice %arg10[%dma_wait3A_48, %dma_wait3A_49] : memref<5200x128xf32, #tpu.memory_space<vmem_shared>> -> memref<80x128xf32, #tpu.memory_space<vmem_shared>>
        tpu.wait_dma2 semaphore(%run_scoped3A : memref<!tpu.dma_semaphore, #tpu.memory_space<semaphore_mem>>) src(%arg8 : memref<80x128xf32, #tpu.memory_space<vmem>>) dst(%dma_wait3A_50 : memref<80x128xf32, #tpu.memory_space<vmem_shared>>)
        tpu.yield
      }) : () -> ()
    } else {
    }
    "tpu.region"() ({
      %run_scoped3A = tpu.sem_alloc : memref<!tpu.dma_semaphore, #tpu.memory_space<semaphore_mem>>
      %dma_start3A_40 = arith.constant 0 : i32
      %dma_start3A_41 = arith.constant 0 : i32
      %dma_start3A_42 = tpu.memref_slice %arg2[%arg1, %dma_start3A_40, %dma_start3A_41] : memref<16x250x80xi32, #tpu.memory_space<hbm>> -> memref<1x250x80xi32, #tpu.memory_space<hbm>>
      %dma_start3A_43 = tpu.memref_squeeze %dma_start3A_42 : memref<1x250x80xi32, #tpu.memory_space<hbm>> -> memref<250x80xi32, #tpu.memory_space<hbm>>
      %dma_start3A_44 = arith.constant 0 : i32
      %dma_start3A_45 = arith.constant 0 : i32
      %dma_start3A_46 = tpu.memref_slice %arg2[%arg1, %dma_start3A_44, %dma_start3A_45] : memref<16x250x80xi32, #tpu.memory_space<hbm>> -> memref<1x250x80xi32, #tpu.memory_space<hbm>>
      %dma_start3A_47 = tpu.memref_squeeze %dma_start3A_46 : memref<1x250x80xi32, #tpu.memory_space<hbm>> -> memref<250x80xi32, #tpu.memory_space<hbm>>
      tpu.enqueue_dma source(%dma_start3A_47 : memref<250x80xi32, #tpu.memory_space<hbm>>) target(%arg6 : memref<250x80xi32, #tpu.memory_space<vmem>>) target_semaphore(%run_scoped3A : memref<!tpu.dma_semaphore, #tpu.memory_space<semaphore_mem>>)
      %dma_wait3A = arith.constant 0 : i32
      %dma_wait3A_48 = arith.constant 0 : i32
      %dma_wait3A_49 = tpu.memref_slice %arg2[%arg1, %dma_wait3A, %dma_wait3A_48] : memref<16x250x80xi32, #tpu.memory_space<hbm>> -> memref<1x250x80xi32, #tpu.memory_space<hbm>>
      %dma_wait3A_50 = tpu.memref_squeeze %dma_wait3A_49 : memref<1x250x80xi32, #tpu.memory_space<hbm>> -> memref<250x80xi32, #tpu.memory_space<hbm>>
      %dma_wait3A_51 = arith.constant 0 : i32
      %dma_wait3A_52 = arith.constant 0 : i32
      %dma_wait3A_53 = tpu.memref_slice %arg2[%arg1, %dma_wait3A_51, %dma_wait3A_52] : memref<16x250x80xi32, #tpu.memory_space<hbm>> -> memref<1x250x80xi32, #tpu.memory_space<hbm>>
      %dma_wait3A_54 = tpu.memref_squeeze %dma_wait3A_53 : memref<1x250x80xi32, #tpu.memory_space<hbm>> -> memref<250x80xi32, #tpu.memory_space<hbm>>
      tpu.wait_dma2 semaphore(%run_scoped3A : memref<!tpu.dma_semaphore, #tpu.memory_space<semaphore_mem>>) src(%dma_wait3A_54 : memref<250x80xi32, #tpu.memory_space<hbm>>) dst(%arg6 : memref<250x80xi32, #tpu.memory_space<vmem>>)
      tpu.yield
    }) : () -> ()
    "tpu.region"() ({
      %run_scoped3A = tpu.sem_alloc : memref<!tpu.dma_semaphore, #tpu.memory_space<semaphore_mem>>
      %dma_start3A_40 = arith.constant 0 : i32
      %dma_start3A_41 = arith.constant 0 : i32
      %dma_start3A_42 = tpu.memref_slice %arg3[%arg1, %dma_start3A_40, %dma_start3A_41] : memref<16x250x80xi32, #tpu.memory_space<hbm>> -> memref<1x250x80xi32, #tpu.memory_space<hbm>>
      %dma_start3A_43 = tpu.memref_squeeze %dma_start3A_42 : memref<1x250x80xi32, #tpu.memory_space<hbm>> -> memref<250x80xi32, #tpu.memory_space<hbm>>
      %dma_start3A_44 = arith.constant 0 : i32
      %dma_start3A_45 = arith.constant 0 : i32
      %dma_start3A_46 = tpu.memref_slice %arg3[%arg1, %dma_start3A_44, %dma_start3A_45] : memref<16x250x80xi32, #tpu.memory_space<hbm>> -> memref<1x250x80xi32, #tpu.memory_space<hbm>>
      %dma_start3A_47 = tpu.memref_squeeze %dma_start3A_46 : memref<1x250x80xi32, #tpu.memory_space<hbm>> -> memref<250x80xi32, #tpu.memory_space<hbm>>
      tpu.enqueue_dma source(%dma_start3A_47 : memref<250x80xi32, #tpu.memory_space<hbm>>) target(%arg7 : memref<250x80xi32, #tpu.memory_space<vmem>>) target_semaphore(%run_scoped3A : memref<!tpu.dma_semaphore, #tpu.memory_space<semaphore_mem>>)
      %dma_wait3A = arith.constant 0 : i32
      %dma_wait3A_48 = arith.constant 0 : i32
      %dma_wait3A_49 = tpu.memref_slice %arg3[%arg1, %dma_wait3A, %dma_wait3A_48] : memref<16x250x80xi32, #tpu.memory_space<hbm>> -> memref<1x250x80xi32, #tpu.memory_space<hbm>>
      %dma_wait3A_50 = tpu.memref_squeeze %dma_wait3A_49 : memref<1x250x80xi32, #tpu.memory_space<hbm>> -> memref<250x80xi32, #tpu.memory_space<hbm>>
      %dma_wait3A_51 = arith.constant 0 : i32
      %dma_wait3A_52 = arith.constant 0 : i32
      %dma_wait3A_53 = tpu.memref_slice %arg3[%arg1, %dma_wait3A_51, %dma_wait3A_52] : memref<16x250x80xi32, #tpu.memory_space<hbm>> -> memref<1x250x80xi32, #tpu.memory_space<hbm>>
      %dma_wait3A_54 = tpu.memref_squeeze %dma_wait3A_53 : memref<1x250x80xi32, #tpu.memory_space<hbm>> -> memref<250x80xi32, #tpu.memory_space<hbm>>
      tpu.wait_dma2 semaphore(%run_scoped3A : memref<!tpu.dma_semaphore, #tpu.memory_space<semaphore_mem>>) src(%dma_wait3A_54 : memref<250x80xi32, #tpu.memory_space<hbm>>) dst(%arg7 : memref<250x80xi32, #tpu.memory_space<vmem>>)
      tpu.yield
    }) : () -> ()
    %mul3A_16 = arith.constant 5120 : i32
    %mul3A_17 = arith.muli %arg0, %mul3A_16 : i32
    %scan3A_18 = arith.constant 0 : i32
    %scan3A_19 = arith.constant 0 : i32
    %scan3A_20 = arith.constant 250 : i32
    %scan3A_21 = arith.addi %scan3A_19, %scan3A_20 : i32
    %scan3A_22 = arith.constant 1 : i32
    scf.for %scan3A_40 = %scan3A_19 to %scan3A_21 step %scan3A_22  : i32 {
      %get3A = arith.index_cast %scan3A_40 : i32 to index
      %get3A_41 = arith.constant 0 : index
      %get3A_42 = tpu.vector_load %arg7[%get3A, %get3A_41] {strides = array<i32>} : memref<250x80xi32, #tpu.memory_space<vmem>>, vector<16xi32>,
      %sub3A = vector.broadcast %mul3A_17 : i32 to vector<16xi32>
      %sub3A_43 = arith.subi %get3A_42, %sub3A : vector<16xi32>
      %ge3A = arith.constant 0 : i32
      %ge3A_44 = vector.broadcast %ge3A : i32 to vector<16xi32>
      %ge3A_45 = arith.cmpi sge, %sub3A_43, %ge3A_44 : vector<16xi32>
      %lt3A = arith.constant 5120 : i32
      %lt3A_46 = vector.broadcast %lt3A : i32 to vector<16xi32>
      %lt3A_47 = arith.cmpi slt, %sub3A_43, %lt3A_46 : vector<16xi32>
      %and3A = arith.andi %ge3A_45, %lt3A_47 : vector<16xi1>
      %jit3A = arith.constant 5120 : i32
      %broadcast_in_dim3A_48 = vector.broadcast %jit3A : i32 to vector<16xi32>
      %select_n3A = arith.select %and3A, %sub3A_43, %broadcast_in_dim3A_48 : vector<16xi1>, vector<16xi32>
      %swap3A = arith.index_cast %scan3A_40 : i32 to index
      %swap3A_49 = arith.constant 0 : index
      %swap3A_50 = tpu.vector_load %arg7[%swap3A, %swap3A_49] {strides = array<i32>} : memref<250x80xi32, #tpu.memory_space<vmem>>, vector<16xi32>,
      tpu.vector_store %arg7[%swap3A, %swap3A_49], %select_n3A {strides = array<i32>} : memref<250x80xi32, #tpu.memory_space<vmem>>, vector<16xi32>,
      %get3A_51 = arith.index_cast %scan3A_40 : i32 to index
      %get3A_52 = arith.constant 16 : index
      %get3A_53 = tpu.vector_load %arg7[%get3A_51, %get3A_52] {strides = array<i32>} : memref<250x80xi32, #tpu.memory_space<vmem>>, vector<16xi32>,
      %sub3A_54 = vector.broadcast %mul3A_17 : i32 to vector<16xi32>
      %sub3A_55 = arith.subi %get3A_53, %sub3A_54 : vector<16xi32>
      %ge3A_56 = arith.constant 0 : i32
      %ge3A_57 = vector.broadcast %ge3A_56 : i32 to vector<16xi32>
      %ge3A_58 = arith.cmpi sge, %sub3A_55, %ge3A_57 : vector<16xi32>
      %lt3A_59 = arith.constant 5120 : i32
      %lt3A_60 = vector.broadcast %lt3A_59 : i32 to vector<16xi32>
      %lt3A_61 = arith.cmpi slt, %sub3A_55, %lt3A_60 : vector<16xi32>
      %and3A_62 = arith.andi %ge3A_58, %lt3A_61 : vector<16xi1>
      %jit3A_63 = arith.constant 5120 : i32
      %broadcast_in_dim3A_64 = vector.broadcast %jit3A_63 : i32 to vector<16xi32>
      %select_n3A_65 = arith.select %and3A_62, %sub3A_55, %broadcast_in_dim3A_64 : vector<16xi1>, vector<16xi32>
      %swap3A_66 = arith.index_cast %scan3A_40 : i32 to index
      %swap3A_67 = arith.constant 16 : index
      %swap3A_68 = tpu.vector_load %arg7[%swap3A_66, %swap3A_67] {strides = array<i32>} : memref<250x80xi32, #tpu.memory_space<vmem>>, vector<16xi32>,
      tpu.vector_store %arg7[%swap3A_66, %swap3A_67], %select_n3A_65 {strides = array<i32>} : memref<250x80xi32, #tpu.memory_space<vmem>>, vector<16xi32>,
      %get3A_69 = arith.index_cast %scan3A_40 : i32 to index
      %get3A_70 = arith.constant 32 : index
      %get3A_71 = tpu.vector_load %arg7[%get3A_69, %get3A_70] {strides = array<i32>} : memref<250x80xi32, #tpu.memory_space<vmem>>, vector<16xi32>,
      %sub3A_72 = vector.broadcast %mul3A_17 : i32 to vector<16xi32>
      %sub3A_73 = arith.subi %get3A_71, %sub3A_72 : vector<16xi32>
      %ge3A_74 = arith.constant 0 : i32
      %ge3A_75 = vector.broadcast %ge3A_74 : i32 to vector<16xi32>
      %ge3A_76 = arith.cmpi sge, %sub3A_73, %ge3A_75 : vector<16xi32>
      %lt3A_77 = arith.constant 5120 : i32
      %lt3A_78 = vector.broadcast %lt3A_77 : i32 to vector<16xi32>
      %lt3A_79 = arith.cmpi slt, %sub3A_73, %lt3A_78 : vector<16xi32>
      %and3A_80 = arith.andi %ge3A_76, %lt3A_79 : vector<16xi1>
      %jit3A_81 = arith.constant 5120 : i32
      %broadcast_in_dim3A_82 = vector.broadcast %jit3A_81 : i32 to vector<16xi32>
      %select_n3A_83 = arith.select %and3A_80, %sub3A_73, %broadcast_in_dim3A_82 : vector<16xi1>, vector<16xi32>
      %swap3A_84 = arith.index_cast %scan3A_40 : i32 to index
      %swap3A_85 = arith.constant 32 : index
      %swap3A_86 = tpu.vector_load %arg7[%swap3A_84, %swap3A_85] {strides = array<i32>} : memref<250x80xi32, #tpu.memory_space<vmem>>, vector<16xi32>,
      tpu.vector_store %arg7[%swap3A_84, %swap3A_85], %select_n3A_83 {strides = array<i32>} : memref<250x80xi32, #tpu.memory_space<vmem>>, vector<16xi32>,
      %get3A_87 = arith.index_cast %scan3A_40 : i32 to index
      %get3A_88 = arith.constant 48 : index
      %get3A_89 = tpu.vector_load %arg7[%get3A_87, %get3A_88] {strides = array<i32>} : memref<250x80xi32, #tpu.memory_space<vmem>>, vector<16xi32>,
      %sub3A_90 = vector.broadcast %mul3A_17 : i32 to vector<16xi32>
      %sub3A_91 = arith.subi %get3A_89, %sub3A_90 : vector<16xi32>
      %ge3A_92 = arith.constant 0 : i32
      %ge3A_93 = vector.broadcast %ge3A_92 : i32 to vector<16xi32>
      %ge3A_94 = arith.cmpi sge, %sub3A_91, %ge3A_93 : vector<16xi32>
      %lt3A_95 = arith.constant 5120 : i32
      %lt3A_96 = vector.broadcast %lt3A_95 : i32 to vector<16xi32>
      %lt3A_97 = arith.cmpi slt, %sub3A_91, %lt3A_96 : vector<16xi32>
      %and3A_98 = arith.andi %ge3A_94, %lt3A_97 : vector<16xi1>
      %jit3A_99 = arith.constant 5120 : i32
      %broadcast_in_dim3A_100 = vector.broadcast %jit3A_99 : i32 to vector<16xi32>
      %select_n3A_101 = arith.select %and3A_98, %sub3A_91, %broadcast_in_dim3A_100 : vector<16xi1>, vector<16xi32>
      %swap3A_102 = arith.index_cast %scan3A_40 : i32 to index
      %swap3A_103 = arith.constant 48 : index
      %swap3A_104 = tpu.vector_load %arg7[%swap3A_102, %swap3A_103] {strides = array<i32>} : memref<250x80xi32, #tpu.memory_space<vmem>>, vector<16xi32>,
      tpu.vector_store %arg7[%swap3A_102, %swap3A_103], %select_n3A_101 {strides = array<i32>} : memref<250x80xi32, #tpu.memory_space<vmem>>, vector<16xi32>,
      %get3A_105 = arith.index_cast %scan3A_40 : i32 to index
      %get3A_106 = arith.constant 64 : index
      %get3A_107 = tpu.vector_load %arg7[%get3A_105, %get3A_106] {strides = array<i32>} : memref<250x80xi32, #tpu.memory_space<vmem>>, vector<16xi32>,
      %sub3A_108 = vector.broadcast %mul3A_17 : i32 to vector<16xi32>
      %sub3A_109 = arith.subi %get3A_107, %sub3A_108 : vector<16xi32>
      %ge3A_110 = arith.constant 0 : i32
      %ge3A_111 = vector.broadcast %ge3A_110 : i32 to vector<16xi32>
      %ge3A_112 = arith.cmpi sge, %sub3A_109, %ge3A_111 : vector<16xi32>
      %lt3A_113 = arith.constant 5120 : i32
      %lt3A_114 = vector.broadcast %lt3A_113 : i32 to vector<16xi32>
      %lt3A_115 = arith.cmpi slt, %sub3A_109, %lt3A_114 : vector<16xi32>
      %and3A_116 = arith.andi %ge3A_112, %lt3A_115 : vector<16xi1>
      %jit3A_117 = arith.constant 5120 : i32
      %broadcast_in_dim3A_118 = vector.broadcast %jit3A_117 : i32 to vector<16xi32>
      %select_n3A_119 = arith.select %and3A_116, %sub3A_109, %broadcast_in_dim3A_118 : vector<16xi1>, vector<16xi32>
      %swap3A_120 = arith.index_cast %scan3A_40 : i32 to index
      %swap3A_121 = arith.constant 64 : index
      %swap3A_122 = tpu.vector_load %arg7[%swap3A_120, %swap3A_121] {strides = array<i32>} : memref<250x80xi32, #tpu.memory_space<vmem>>, vector<16xi32>,
      tpu.vector_store %arg7[%swap3A_120, %swap3A_121], %select_n3A_119 {strides = array<i32>} : memref<250x80xi32, #tpu.memory_space<vmem>>, vector<16xi32>,
    }
    %scan3A_23 = arith.constant 250 : i32
    %barrier3A = arith.constant 0 : index
    tpu.barrier barrier_id(%barrier3A)
    %dma_start3A = arith.constant 0 : i32
    %dma_start3A_24 = arith.constant 0 : i32
    %dma_start3A_25 = tpu.memref_slice %arg6[%dma_start3A, %dma_start3A_24] : memref<250x80xi32, #tpu.memory_space<vmem>> -> memref<1x80xi32, #tpu.memory_space<vmem>>
    %dma_start3A_26 = tpu.memref_squeeze %dma_start3A_25 : memref<1x80xi32, #tpu.memory_space<vmem>> -> memref<80xi32, #tpu.memory_space<vmem>>
    %dma_start3A_27 = arith.constant 0 : i32
    %dma_start3A_28 = arith.constant 0 : i32
    %dma_start3A_29 = tpu.memref_slice %arg4[%dma_start3A_27, %dma_start3A_28] : memref<10240x128xf32, #tpu.memory_space<hbm>> -> memref<10240x128xf32, #tpu.memory_space<hbm>>
    tpu.enqueue_indirect_dma source(%dma_start3A_29 : memref<10240x128xf32, #tpu.memory_space<hbm>>) target(%arg8 : memref<80x128xf32, #tpu.memory_space<vmem>>) offsets(%dma_start3A_26 : memref<80xi32, #tpu.memory_space<vmem>>) semaphore(%arg11 : memref<!tpu.dma_semaphore, #tpu.memory_space<semaphore_mem>>)
    %scan3A_30 = arith.constant 0 : i32
    %scan3A_31 = arith.constant 0 : i32
    %scan3A_32 = arith.constant 125 : i32
    %scan3A_33 = arith.addi %scan3A_31, %scan3A_32 : i32
    %scan3A_34 = arith.constant 1 : i32
    scf.for %scan3A_40 = %scan3A_31 to %scan3A_33 step %scan3A_34  : i32 {
      %mul3A_41 = arith.constant 2 : i32
      %mul3A_42 = arith.muli %mul3A_41, %scan3A_40 : i32
      %dma_wait3A = arith.constant 0 : i32
      %dma_wait3A_43 = tpu.memref_slice %arg6[%mul3A_42, %dma_wait3A] : memref<250x80xi32, #tpu.memory_space<vmem>> -> memref<1x80xi32, #tpu.memory_space<vmem>>
      %dma_wait3A_44 = tpu.memref_squeeze %dma_wait3A_43 : memref<1x80xi32, #tpu.memory_space<vmem>> -> memref<80xi32, #tpu.memory_space<vmem>>
      %dma_wait3A_45 = arith.constant 0 : i32
      %dma_wait3A_46 = arith.constant 0 : i32
      %dma_wait3A_47 = tpu.memref_slice %arg4[%dma_wait3A_45, %dma_wait3A_46] : memref<10240x128xf32, #tpu.memory_space<hbm>> -> memref<10240x128xf32, #tpu.memory_space<hbm>>
      tpu.wait_indirect_dma semaphore(%arg11 : memref<!tpu.dma_semaphore, #tpu.memory_space<semaphore_mem>>) src(%dma_wait3A_47 : memref<10240x128xf32, #tpu.memory_space<hbm>>) dst(%arg8 : memref<80x128xf32, #tpu.memory_space<vmem>>)
      %add3A_48 = arith.constant 1 : i32
      %add3A_49 = arith.addi %mul3A_42, %add3A_48 : i32
      %dma_start3A_50 = arith.constant 0 : i32
      %dma_start3A_51 = tpu.memref_slice %arg6[%add3A_49, %dma_start3A_50] : memref<250x80xi32, #tpu.memory_space<vmem>> -> memref<1x80xi32, #tpu.memory_space<vmem>>
      %dma_start3A_52 = tpu.memref_squeeze %dma_start3A_51 : memref<1x80xi32, #tpu.memory_space<vmem>> -> memref<80xi32, #tpu.memory_space<vmem>>
      %dma_start3A_53 = arith.constant 0 : i32
      %dma_start3A_54 = arith.constant 0 : i32
      %dma_start3A_55 = tpu.memref_slice %arg4[%dma_start3A_53, %dma_start3A_54] : memref<10240x128xf32, #tpu.memory_space<hbm>> -> memref<10240x128xf32, #tpu.memory_space<hbm>>
      tpu.enqueue_indirect_dma source(%dma_start3A_55 : memref<10240x128xf32, #tpu.memory_space<hbm>>) target(%arg9 : memref<80x128xf32, #tpu.memory_space<vmem>>) offsets(%dma_start3A_52 : memref<80xi32, #tpu.memory_space<vmem>>) semaphore(%arg12 : memref<!tpu.dma_semaphore, #tpu.memory_space<semaphore_mem>>)
      "tpu.region"() ({
        %run_scoped3A = tpu.sem_alloc : memref<!tpu.dma_semaphore, #tpu.memory_space<semaphore_mem>>
        %dma_start3A_72 = arith.constant 0 : i32
        %dma_start3A_73 = tpu.memref_slice %arg7[%mul3A_42, %dma_start3A_72] : memref<250x80xi32, #tpu.memory_space<vmem>> -> memref<1x80xi32, #tpu.memory_space<vmem>>
        %dma_start3A_74 = tpu.memref_squeeze %dma_start3A_73 : memref<1x80xi32, #tpu.memory_space<vmem>> -> memref<80xi32, #tpu.memory_space<vmem>>
        %dma_start3A_75 = arith.constant 0 : i32
        %dma_start3A_76 = arith.constant 0 : i32
        %dma_start3A_77 = tpu.memref_slice %arg10[%dma_start3A_75, %dma_start3A_76] : memref<5200x128xf32, #tpu.memory_space<vmem_shared>> -> memref<5200x128xf32, #tpu.memory_space<vmem_shared>>
        tpu.enqueue_indirect_dma source(%arg8 : memref<80x128xf32, #tpu.memory_space<vmem>>) target(%dma_start3A_77 : memref<5200x128xf32, #tpu.memory_space<vmem_shared>>) offsets(%dma_start3A_74 : memref<80xi32, #tpu.memory_space<vmem>>) semaphore(%run_scoped3A : memref<!tpu.dma_semaphore, #tpu.memory_space<semaphore_mem>>) {add = true}
        %dma_wait3A_78 = arith.constant 0 : i32
        %dma_wait3A_79 = tpu.memref_slice %arg7[%mul3A_42, %dma_wait3A_78] : memref<250x80xi32, #tpu.memory_space<vmem>> -> memref<1x80xi32, #tpu.memory_space<vmem>>
        %dma_wait3A_80 = tpu.memref_squeeze %dma_wait3A_79 : memref<1x80xi32, #tpu.memory_space<vmem>> -> memref<80xi32, #tpu.memory_space<vmem>>
        %dma_wait3A_81 = arith.constant 0 : i32
        %dma_wait3A_82 = arith.constant 0 : i32
        %dma_wait3A_83 = tpu.memref_slice %arg10[%dma_wait3A_81, %dma_wait3A_82] : memref<5200x128xf32, #tpu.memory_space<vmem_shared>> -> memref<5200x128xf32, #tpu.memory_space<vmem_shared>>
        tpu.wait_indirect_dma semaphore(%run_scoped3A : memref<!tpu.dma_semaphore, #tpu.memory_space<semaphore_mem>>) src(%arg8 : memref<80x128xf32, #tpu.memory_space<vmem>>) dst(%dma_wait3A_83 : memref<5200x128xf32, #tpu.memory_space<vmem_shared>>)
        tpu.yield
      }) : () -> ()
      %add3A_56 = arith.constant 1 : i32
      %add3A_57 = arith.addi %mul3A_42, %add3A_56 : i32
      %dma_wait3A_58 = arith.constant 0 : i32
      %dma_wait3A_59 = tpu.memref_slice %arg6[%add3A_57, %dma_wait3A_58] : memref<250x80xi32, #tpu.memory_space<vmem>> -> memref<1x80xi32, #tpu.memory_space<vmem>>
      %dma_wait3A_60 = tpu.memref_squeeze %dma_wait3A_59 : memref<1x80xi32, #tpu.memory_space<vmem>> -> memref<80xi32, #tpu.memory_space<vmem>>
      %dma_wait3A_61 = arith.constant 0 : i32
      %dma_wait3A_62 = arith.constant 0 : i32
      %dma_wait3A_63 = tpu.memref_slice %arg4[%dma_wait3A_61, %dma_wait3A_62] : memref<10240x128xf32, #tpu.memory_space<hbm>> -> memref<10240x128xf32, #tpu.memory_space<hbm>>
      tpu.wait_indirect_dma semaphore(%arg12 : memref<!tpu.dma_semaphore, #tpu.memory_space<semaphore_mem>>) src(%dma_wait3A_63 : memref<10240x128xf32, #tpu.memory_space<hbm>>) dst(%arg9 : memref<80x128xf32, #tpu.memory_space<vmem>>)
      %add3A_64 = arith.constant 1 : i32
      %add3A_65 = arith.addi %scan3A_40, %add3A_64 : i32
      %lt3A = arith.constant 125 : i32
      %lt3A_66 = arith.cmpi slt, %add3A_65, %lt3A : i32
      %convert_element_type3A_67 = arith.extui %lt3A_66 : i1 to i32
      %cond3A_68 = arith.constant 0 : i32
      %cond3A_69 = arith.cmpi ne, %convert_element_type3A_67, %cond3A_68 : i32
      scf.if %cond3A_69 {
        %add3A_72 = arith.constant 2 : i32
        %add3A_73 = arith.addi %mul3A_42, %add3A_72 : i32
        %dma_start3A_74 = arith.constant 0 : i32
        %dma_start3A_75 = tpu.memref_slice %arg6[%add3A_73, %dma_start3A_74] : memref<250x80xi32, #tpu.memory_space<vmem>> -> memref<1x80xi32, #tpu.memory_space<vmem>>
        %dma_start3A_76 = tpu.memref_squeeze %dma_start3A_75 : memref<1x80xi32, #tpu.memory_space<vmem>> -> memref<80xi32, #tpu.memory_space<vmem>>
        %dma_start3A_77 = arith.constant 0 : i32
        %dma_start3A_78 = arith.constant 0 : i32
        %dma_start3A_79 = tpu.memref_slice %arg4[%dma_start3A_77, %dma_start3A_78] : memref<10240x128xf32, #tpu.memory_space<hbm>> -> memref<10240x128xf32, #tpu.memory_space<hbm>>
        tpu.enqueue_indirect_dma source(%dma_start3A_79 : memref<10240x128xf32, #tpu.memory_space<hbm>>) target(%arg8 : memref<80x128xf32, #tpu.memory_space<vmem>>) offsets(%dma_start3A_76 : memref<80xi32, #tpu.memory_space<vmem>>) semaphore(%arg11 : memref<!tpu.dma_semaphore, #tpu.memory_space<semaphore_mem>>)
      } else {
      }
      %add3A_70 = arith.constant 1 : i32
      %add3A_71 = arith.addi %mul3A_42, %add3A_70 : i32
      "tpu.region"() ({
        %run_scoped3A = tpu.sem_alloc : memref<!tpu.dma_semaphore, #tpu.memory_space<semaphore_mem>>
        %dma_start3A_72 = arith.constant 0 : i32
        %dma_start3A_73 = tpu.memref_slice %arg7[%add3A_71, %dma_start3A_72] : memref<250x80xi32, #tpu.memory_space<vmem>> -> memref<1x80xi32, #tpu.memory_space<vmem>>
        %dma_start3A_74 = tpu.memref_squeeze %dma_start3A_73 : memref<1x80xi32, #tpu.memory_space<vmem>> -> memref<80xi32, #tpu.memory_space<vmem>>
        %dma_start3A_75 = arith.constant 0 : i32
        %dma_start3A_76 = arith.constant 0 : i32
        %dma_start3A_77 = tpu.memref_slice %arg10[%dma_start3A_75, %dma_start3A_76] : memref<5200x128xf32, #tpu.memory_space<vmem_shared>> -> memref<5200x128xf32, #tpu.memory_space<vmem_shared>>
        tpu.enqueue_indirect_dma source(%arg9 : memref<80x128xf32, #tpu.memory_space<vmem>>) target(%dma_start3A_77 : memref<5200x128xf32, #tpu.memory_space<vmem_shared>>) offsets(%dma_start3A_74 : memref<80xi32, #tpu.memory_space<vmem>>) semaphore(%run_scoped3A : memref<!tpu.dma_semaphore, #tpu.memory_space<semaphore_mem>>) {add = true}
        %dma_wait3A_78 = arith.constant 0 : i32
        %dma_wait3A_79 = tpu.memref_slice %arg7[%add3A_71, %dma_wait3A_78] : memref<250x80xi32, #tpu.memory_space<vmem>> -> memref<1x80xi32, #tpu.memory_space<vmem>>
        %dma_wait3A_80 = tpu.memref_squeeze %dma_wait3A_79 : memref<1x80xi32, #tpu.memory_space<vmem>> -> memref<80xi32, #tpu.memory_space<vmem>>
        %dma_wait3A_81 = arith.constant 0 : i32
        %dma_wait3A_82 = arith.constant 0 : i32
        %dma_wait3A_83 = tpu.memref_slice %arg10[%dma_wait3A_81, %dma_wait3A_82] : memref<5200x128xf32, #tpu.memory_space<vmem_shared>> -> memref<5200x128xf32, #tpu.memory_space<vmem_shared>>
        tpu.wait_indirect_dma semaphore(%run_scoped3A : memref<!tpu.dma_semaphore, #tpu.memory_space<semaphore_mem>>) src(%arg9 : memref<80x128xf32, #tpu.memory_space<vmem>>) dst(%dma_wait3A_83 : memref<5200x128xf32, #tpu.memory_space<vmem_shared>>)
        tpu.yield
      }) : () -> ()
    }
    %scan3A_35 = arith.constant 125 : i32
    %barrier3A_36 = arith.constant 0 : index
    tpu.barrier barrier_id(%barrier3A_36)
    %mul3A_37 = arith.constant 5120 : i32
    %mul3A_38 = arith.muli %arg0, %mul3A_37 : i32
    %add3A_39 = arith.addi %mul3A_38, %mul3A_0 : i32
    "tpu.region"() ({
      %run_scoped3A = tpu.sem_alloc : memref<!tpu.dma_semaphore, #tpu.memory_space<semaphore_mem>>
      %dma_start3A_40 = arith.constant 0 : i32
      %dma_start3A_41 = tpu.memref_slice %arg5[%add3A_39, %dma_start3A_40] : memref<10240x128xf32, #tpu.memory_space<hbm>> -> memref<320x128xf32, #tpu.memory_space<hbm>>
      %dma_start3A_42 = arith.constant 0 : i32
      %dma_start3A_43 = tpu.memref_slice %arg10[%mul3A_0, %dma_start3A_42] : memref<5200x128xf32, #tpu.memory_space<vmem_shared>> -> memref<320x128xf32, #tpu.memory_space<vmem_shared>>
      tpu.enqueue_dma source(%dma_start3A_43 : memref<320x128xf32, #tpu.memory_space<vmem_shared>>) target(%dma_start3A_41 : memref<320x128xf32, #tpu.memory_space<hbm>>) target_semaphore(%run_scoped3A : memref<!tpu.dma_semaphore, #tpu.memory_space<semaphore_mem>>)
      %dma_wait3A = arith.constant 0 : i32
      %dma_wait3A_44 = tpu.memref_slice %arg5[%add3A_39, %dma_wait3A] : memref<10240x128xf32, #tpu.memory_space<hbm>> -> memref<320x128xf32, #tpu.memory_space<hbm>>
      %dma_wait3A_45 = arith.constant 0 : i32
      %dma_wait3A_46 = tpu.memref_slice %arg10[%mul3A_0, %dma_wait3A_45] : memref<5200x128xf32, #tpu.memory_space<vmem_shared>> -> memref<320x128xf32, #tpu.memory_space<vmem_shared>>
      tpu.wait_dma2 semaphore(%run_scoped3A : memref<!tpu.dma_semaphore, #tpu.memory_space<semaphore_mem>>) src(%dma_wait3A_46 : memref<320x128xf32, #tpu.memory_space<vmem_shared>>) dst(%dma_wait3A_44 : memref<320x128xf32, #tpu.memory_space<hbm>>)
      tpu.yield
    }) : () -> ()
    return
  }
}

#map = affine_map<(d0, d1) -> (0, 0, 0)>
#map1 = affine_map<(d0, d1) -> (0, 0)>
module attributes {stable_mosaic.version = 14 : i64} {
  func.func @_deg_body(%arg0: i32, %arg1: i32, %arg2: memref<32x125x80xi32, #tpu.memory_space<hbm>>, %arg3: memref<2x10240xf32, #tpu.memory_space<hbm>>, %arg4: memref<125x80xi32, #tpu.memory_space<vmem>>, %arg5: memref<10240xf32, #tpu.memory_space<vmem>>, %arg6: memref<640xf32, #tpu.memory_space<vmem>>, %arg7: memref<16x640xf32, #tpu.memory_space<vmem>>, %arg8: memref<16x10240xf32, #tpu.memory_space<vmem_shared>>) attributes {dimension_semantics = [#tpu.dimension_semantics<core_parallel>, #tpu.dimension_semantics<subcore_parallel>], iteration_bounds = array<i64: 2, 16>, scalar_prefetch = 0 : i64, scratch_operands = 5 : i64, tpu.core_type = #tpu.core_type<sc_vector_subcore>, window_params = [{transform_indices = #map}, {transform_indices = #map1}]} {
    %mul3A = arith.constant 2 : i32
    %mul3A_0 = arith.muli %arg1, %mul3A : i32
    %add3A = arith.addi %mul3A_0, %arg0 : i32
    "tpu.region"() ({
      %run_scoped3A = tpu.sem_alloc : memref<!tpu.dma_semaphore, #tpu.memory_space<semaphore_mem>>
      %dma_start3A = arith.constant 0 : i32
      %dma_start3A_23 = arith.constant 0 : i32
      %dma_start3A_24 = tpu.memref_slice %arg2[%add3A, %dma_start3A, %dma_start3A_23] : memref<32x125x80xi32, #tpu.memory_space<hbm>> -> memref<1x125x80xi32, #tpu.memory_space<hbm>>
      %dma_start3A_25 = tpu.memref_squeeze %dma_start3A_24 : memref<1x125x80xi32, #tpu.memory_space<hbm>> -> memref<125x80xi32, #tpu.memory_space<hbm>>
      %dma_start3A_26 = arith.constant 0 : i32
      %dma_start3A_27 = arith.constant 0 : i32
      %dma_start3A_28 = tpu.memref_slice %arg2[%add3A, %dma_start3A_26, %dma_start3A_27] : memref<32x125x80xi32, #tpu.memory_space<hbm>> -> memref<1x125x80xi32, #tpu.memory_space<hbm>>
      %dma_start3A_29 = tpu.memref_squeeze %dma_start3A_28 : memref<1x125x80xi32, #tpu.memory_space<hbm>> -> memref<125x80xi32, #tpu.memory_space<hbm>>
      tpu.enqueue_dma source(%dma_start3A_29 : memref<125x80xi32, #tpu.memory_space<hbm>>) target(%arg4 : memref<125x80xi32, #tpu.memory_space<vmem>>) target_semaphore(%run_scoped3A : memref<!tpu.dma_semaphore, #tpu.memory_space<semaphore_mem>>)
      %dma_wait3A = arith.constant 0 : i32
      %dma_wait3A_30 = arith.constant 0 : i32
      %dma_wait3A_31 = tpu.memref_slice %arg2[%add3A, %dma_wait3A, %dma_wait3A_30] : memref<32x125x80xi32, #tpu.memory_space<hbm>> -> memref<1x125x80xi32, #tpu.memory_space<hbm>>
      %dma_wait3A_32 = tpu.memref_squeeze %dma_wait3A_31 : memref<1x125x80xi32, #tpu.memory_space<hbm>> -> memref<125x80xi32, #tpu.memory_space<hbm>>
      %dma_wait3A_33 = arith.constant 0 : i32
      %dma_wait3A_34 = arith.constant 0 : i32
      %dma_wait3A_35 = tpu.memref_slice %arg2[%add3A, %dma_wait3A_33, %dma_wait3A_34] : memref<32x125x80xi32, #tpu.memory_space<hbm>> -> memref<1x125x80xi32, #tpu.memory_space<hbm>>
      %dma_wait3A_36 = tpu.memref_squeeze %dma_wait3A_35 : memref<1x125x80xi32, #tpu.memory_space<hbm>> -> memref<125x80xi32, #tpu.memory_space<hbm>>
      tpu.wait_dma2 semaphore(%run_scoped3A : memref<!tpu.dma_semaphore, #tpu.memory_space<semaphore_mem>>) src(%dma_wait3A_36 : memref<125x80xi32, #tpu.memory_space<hbm>>) dst(%arg4 : memref<125x80xi32, #tpu.memory_space<vmem>>)
      tpu.yield
    }) : () -> ()
    %broadcast_in_dim3A = arith.constant 0.000000e+00 : f32
    %broadcast_in_dim3A_1 = vector.broadcast %broadcast_in_dim3A : f32 to vector<16xf32>
    %broadcast_in_dim3A_2 = arith.constant 1.000000e+00 : f32
    %broadcast_in_dim3A_3 = vector.broadcast %broadcast_in_dim3A_2 : f32 to vector<16xf32>
    %scan3A = arith.constant 0 : i32
    %scan3A_4 = arith.constant 0 : i32
    %scan3A_5 = arith.constant 640 : i32
    %scan3A_6 = arith.addi %scan3A_4, %scan3A_5 : i32
    %scan3A_7 = arith.constant 1 : i32
    scf.for %scan3A_23 = %scan3A_4 to %scan3A_6 step %scan3A_7  : i32 {
      %mul3A_24 = arith.constant 16 : i32
      %mul3A_25 = arith.muli %scan3A_23, %mul3A_24 : i32
      %swap3A = arith.index_cast %mul3A_25 : i32 to index
      %swap3A_26 = tpu.vector_load %arg5[%swap3A] {strides = array<i32>} : memref<10240xf32, #tpu.memory_space<vmem>>, vector<16xf32>,
      tpu.vector_store %arg5[%swap3A], %broadcast_in_dim3A_1 {strides = array<i32>} : memref<10240xf32, #tpu.memory_space<vmem>>, vector<16xf32>,
    }
    %scan3A_8 = arith.constant 640 : i32
    %scan3A_9 = arith.constant 0 : i32
    %scan3A_10 = arith.constant 0 : i32
    %scan3A_11 = arith.constant 125 : i32
    %scan3A_12 = arith.addi %scan3A_10, %scan3A_11 : i32
    %scan3A_13 = arith.constant 1 : i32
    scf.for %scan3A_23 = %scan3A_10 to %scan3A_12 step %scan3A_13  : i32 {
      %scan3A_24 = arith.constant 0 : i32
      %scan3A_25 = arith.constant 5 : i32
      %scan3A_26 = arith.addi %scan3A_24, %scan3A_25 : i32
      %scan3A_27 = arith.constant 1 : i32
      scf.for %scan3A_29 = %scan3A_24 to %scan3A_26 step %scan3A_27  : i32 {
        %mul3A_30 = arith.constant 16 : i32
        %mul3A_31 = arith.muli %scan3A_29, %mul3A_30 : i32
        %get3A = arith.index_cast %scan3A_23 : i32 to index
        %get3A_32 = arith.index_cast %mul3A_31 : i32 to index
        %get3A_33 = tpu.vector_load %arg4[%get3A, %get3A_32] {strides = array<i32>} : memref<125x80xi32, #tpu.memory_space<vmem>>, vector<16xi32>,
        tpu.vector_store_idx %arg5[%get3A_33], %broadcast_in_dim3A_3 {add = true} : memref<10240xf32, #tpu.memory_space<vmem>>[vector<16xi32>], vector<16xf32>,
      }
      %scan3A_28 = arith.constant 5 : i32
    }
    %scan3A_14 = arith.constant 125 : i32
    "tpu.region"() ({
      %run_scoped3A = tpu.sem_alloc : memref<!tpu.dma_semaphore, #tpu.memory_space<semaphore_mem>>
      %dma_start3A = arith.constant 0 : i32
      %dma_start3A_23 = tpu.memref_slice %arg8[%arg1, %dma_start3A] : memref<16x10240xf32, #tpu.memory_space<vmem_shared>> -> memref<1x10240xf32, #tpu.memory_space<vmem_shared>>
      %dma_start3A_24 = tpu.memref_squeeze %dma_start3A_23 : memref<1x10240xf32, #tpu.memory_space<vmem_shared>> -> memref<10240xf32, #tpu.memory_space<vmem_shared>>
      %dma_start3A_25 = arith.constant 0 : i32
      %dma_start3A_26 = tpu.memref_slice %arg8[%arg1, %dma_start3A_25] : memref<16x10240xf32, #tpu.memory_space<vmem_shared>> -> memref<1x10240xf32, #tpu.memory_space<vmem_shared>>
      %dma_start3A_27 = tpu.memref_squeeze %dma_start3A_26 : memref<1x10240xf32, #tpu.memory_space<vmem_shared>> -> memref<10240xf32, #tpu.memory_space<vmem_shared>>
      tpu.enqueue_dma source(%arg5 : memref<10240xf32, #tpu.memory_space<vmem>>) target(%dma_start3A_27 : memref<10240xf32, #tpu.memory_space<vmem_shared>>) target_semaphore(%run_scoped3A : memref<!tpu.dma_semaphore, #tpu.memory_space<semaphore_mem>>)
      %dma_wait3A = arith.constant 0 : i32
      %dma_wait3A_28 = tpu.memref_slice %arg8[%arg1, %dma_wait3A] : memref<16x10240xf32, #tpu.memory_space<vmem_shared>> -> memref<1x10240xf32, #tpu.memory_space<vmem_shared>>
      %dma_wait3A_29 = tpu.memref_squeeze %dma_wait3A_28 : memref<1x10240xf32, #tpu.memory_space<vmem_shared>> -> memref<10240xf32, #tpu.memory_space<vmem_shared>>
      %dma_wait3A_30 = arith.constant 0 : i32
      %dma_wait3A_31 = tpu.memref_slice %arg8[%arg1, %dma_wait3A_30] : memref<16x10240xf32, #tpu.memory_space<vmem_shared>> -> memref<1x10240xf32, #tpu.memory_space<vmem_shared>>
      %dma_wait3A_32 = tpu.memref_squeeze %dma_wait3A_31 : memref<1x10240xf32, #tpu.memory_space<vmem_shared>> -> memref<10240xf32, #tpu.memory_space<vmem_shared>>
      tpu.wait_dma2 semaphore(%run_scoped3A : memref<!tpu.dma_semaphore, #tpu.memory_space<semaphore_mem>>) src(%arg5 : memref<10240xf32, #tpu.memory_space<vmem>>) dst(%dma_wait3A_32 : memref<10240xf32, #tpu.memory_space<vmem_shared>>)
      tpu.yield
    }) : () -> ()
    %barrier3A = arith.constant 0 : index
    tpu.barrier barrier_id(%barrier3A)
    %mul3A_15 = arith.constant 640 : i32
    %mul3A_16 = arith.muli %arg1, %mul3A_15 : i32
    "tpu.region"() ({
      %run_scoped3A = tpu.sem_alloc : memref<!tpu.dma_semaphore, #tpu.memory_space<semaphore_mem>>
      %dma_start3A = arith.constant 0 : i32
      %dma_start3A_23 = tpu.memref_slice %arg8[%dma_start3A, %mul3A_16] : memref<16x10240xf32, #tpu.memory_space<vmem_shared>> -> memref<16x640xf32, #tpu.memory_space<vmem_shared>>
      %dma_start3A_24 = arith.constant 0 : i32
      %dma_start3A_25 = tpu.memref_slice %arg8[%dma_start3A_24, %mul3A_16] : memref<16x10240xf32, #tpu.memory_space<vmem_shared>> -> memref<16x640xf32, #tpu.memory_space<vmem_shared>>
      tpu.enqueue_dma source(%dma_start3A_25 : memref<16x640xf32, #tpu.memory_space<vmem_shared>>) target(%arg7 : memref<16x640xf32, #tpu.memory_space<vmem>>) target_semaphore(%run_scoped3A : memref<!tpu.dma_semaphore, #tpu.memory_space<semaphore_mem>>)
      %dma_wait3A = arith.constant 0 : i32
      %dma_wait3A_26 = tpu.memref_slice %arg8[%dma_wait3A, %mul3A_16] : memref<16x10240xf32, #tpu.memory_space<vmem_shared>> -> memref<16x640xf32, #tpu.memory_space<vmem_shared>>
      %dma_wait3A_27 = arith.constant 0 : i32
      %dma_wait3A_28 = tpu.memref_slice %arg8[%dma_wait3A_27, %mul3A_16] : memref<16x10240xf32, #tpu.memory_space<vmem_shared>> -> memref<16x640xf32, #tpu.memory_space<vmem_shared>>
      tpu.wait_dma2 semaphore(%run_scoped3A : memref<!tpu.dma_semaphore, #tpu.memory_space<semaphore_mem>>) src(%dma_wait3A_28 : memref<16x640xf32, #tpu.memory_space<vmem_shared>>) dst(%arg7 : memref<16x640xf32, #tpu.memory_space<vmem>>)
      tpu.yield
    }) : () -> ()
    %scan3A_17 = arith.constant 0 : i32
    %scan3A_18 = arith.constant 0 : i32
    %scan3A_19 = arith.constant 40 : i32
    %scan3A_20 = arith.addi %scan3A_18, %scan3A_19 : i32
    %scan3A_21 = arith.constant 1 : i32
    scf.for %scan3A_23 = %scan3A_18 to %scan3A_20 step %scan3A_21  : i32 {
      %broadcast_in_dim3A_24 = arith.constant 0.000000e+00 : f32
      %broadcast_in_dim3A_25 = vector.broadcast %broadcast_in_dim3A_24 : f32 to vector<16xf32>
      %mul3A_26 = arith.constant 16 : i32
      %mul3A_27 = arith.muli %scan3A_23, %mul3A_26 : i32
      %get3A = arith.constant 0 : i32
      %get3A_28 = arith.index_cast %get3A : i32 to index
      %get3A_29 = arith.index_cast %mul3A_27 : i32 to index
      %get3A_30 = tpu.vector_load %arg7[%get3A_28, %get3A_29] {strides = array<i32>} : memref<16x640xf32, #tpu.memory_space<vmem>>, vector<16xf32>,
      %add3A_31 = arith.addf %broadcast_in_dim3A_25, %get3A_30 : vector<16xf32>
      %mul3A_32 = arith.constant 16 : i32
      %mul3A_33 = arith.muli %scan3A_23, %mul3A_32 : i32
      %get3A_34 = arith.constant 1 : i32
      %get3A_35 = arith.index_cast %get3A_34 : i32 to index
      %get3A_36 = arith.index_cast %mul3A_33 : i32 to index
      %get3A_37 = tpu.vector_load %arg7[%get3A_35, %get3A_36] {strides = array<i32>} : memref<16x640xf32, #tpu.memory_space<vmem>>, vector<16xf32>,
      %add3A_38 = arith.addf %add3A_31, %get3A_37 : vector<16xf32>
      %mul3A_39 = arith.constant 16 : i32
      %mul3A_40 = arith.muli %scan3A_23, %mul3A_39 : i32
      %get3A_41 = arith.constant 2 : i32
      %get3A_42 = arith.index_cast %get3A_41 : i32 to index
      %get3A_43 = arith.index_cast %mul3A_40 : i32 to index
      %get3A_44 = tpu.vector_load %arg7[%get3A_42, %get3A_43] {strides = array<i32>} : memref<16x640xf32, #tpu.memory_space<vmem>>, vector<16xf32>,
      %add3A_45 = arith.addf %add3A_38, %get3A_44 : vector<16xf32>
      %mul3A_46 = arith.constant 16 : i32
      %mul3A_47 = arith.muli %scan3A_23, %mul3A_46 : i32
      %get3A_48 = arith.constant 3 : i32
      %get3A_49 = arith.index_cast %get3A_48 : i32 to index
      %get3A_50 = arith.index_cast %mul3A_47 : i32 to index
      %get3A_51 = tpu.vector_load %arg7[%get3A_49, %get3A_50] {strides = array<i32>} : memref<16x640xf32, #tpu.memory_space<vmem>>, vector<16xf32>,
      %add3A_52 = arith.addf %add3A_45, %get3A_51 : vector<16xf32>
      %mul3A_53 = arith.constant 16 : i32
      %mul3A_54 = arith.muli %scan3A_23, %mul3A_53 : i32
      %get3A_55 = arith.constant 4 : i32
      %get3A_56 = arith.index_cast %get3A_55 : i32 to index
      %get3A_57 = arith.index_cast %mul3A_54 : i32 to index
      %get3A_58 = tpu.vector_load %arg7[%get3A_56, %get3A_57] {strides = array<i32>} : memref<16x640xf32, #tpu.memory_space<vmem>>, vector<16xf32>,
      %add3A_59 = arith.addf %add3A_52, %get3A_58 : vector<16xf32>
      %mul3A_60 = arith.constant 16 : i32
      %mul3A_61 = arith.muli %scan3A_23, %mul3A_60 : i32
      %get3A_62 = arith.constant 5 : i32
      %get3A_63 = arith.index_cast %get3A_62 : i32 to index
      %get3A_64 = arith.index_cast %mul3A_61 : i32 to index
      %get3A_65 = tpu.vector_load %arg7[%get3A_63, %get3A_64] {strides = array<i32>} : memref<16x640xf32, #tpu.memory_space<vmem>>, vector<16xf32>,
      %add3A_66 = arith.addf %add3A_59, %get3A_65 : vector<16xf32>
      %mul3A_67 = arith.constant 16 : i32
      %mul3A_68 = arith.muli %scan3A_23, %mul3A_67 : i32
      %get3A_69 = arith.constant 6 : i32
      %get3A_70 = arith.index_cast %get3A_69 : i32 to index
      %get3A_71 = arith.index_cast %mul3A_68 : i32 to index
      %get3A_72 = tpu.vector_load %arg7[%get3A_70, %get3A_71] {strides = array<i32>} : memref<16x640xf32, #tpu.memory_space<vmem>>, vector<16xf32>,
      %add3A_73 = arith.addf %add3A_66, %get3A_72 : vector<16xf32>
      %mul3A_74 = arith.constant 16 : i32
      %mul3A_75 = arith.muli %scan3A_23, %mul3A_74 : i32
      %get3A_76 = arith.constant 7 : i32
      %get3A_77 = arith.index_cast %get3A_76 : i32 to index
      %get3A_78 = arith.index_cast %mul3A_75 : i32 to index
      %get3A_79 = tpu.vector_load %arg7[%get3A_77, %get3A_78] {strides = array<i32>} : memref<16x640xf32, #tpu.memory_space<vmem>>, vector<16xf32>,
      %add3A_80 = arith.addf %add3A_73, %get3A_79 : vector<16xf32>
      %mul3A_81 = arith.constant 16 : i32
      %mul3A_82 = arith.muli %scan3A_23, %mul3A_81 : i32
      %get3A_83 = arith.constant 8 : i32
      %get3A_84 = arith.index_cast %get3A_83 : i32 to index
      %get3A_85 = arith.index_cast %mul3A_82 : i32 to index
      %get3A_86 = tpu.vector_load %arg7[%get3A_84, %get3A_85] {strides = array<i32>} : memref<16x640xf32, #tpu.memory_space<vmem>>, vector<16xf32>,
      %add3A_87 = arith.addf %add3A_80, %get3A_86 : vector<16xf32>
      %mul3A_88 = arith.constant 16 : i32
      %mul3A_89 = arith.muli %scan3A_23, %mul3A_88 : i32
      %get3A_90 = arith.constant 9 : i32
      %get3A_91 = arith.index_cast %get3A_90 : i32 to index
      %get3A_92 = arith.index_cast %mul3A_89 : i32 to index
      %get3A_93 = tpu.vector_load %arg7[%get3A_91, %get3A_92] {strides = array<i32>} : memref<16x640xf32, #tpu.memory_space<vmem>>, vector<16xf32>,
      %add3A_94 = arith.addf %add3A_87, %get3A_93 : vector<16xf32>
      %mul3A_95 = arith.constant 16 : i32
      %mul3A_96 = arith.muli %scan3A_23, %mul3A_95 : i32
      %get3A_97 = arith.constant 10 : i32
      %get3A_98 = arith.index_cast %get3A_97 : i32 to index
      %get3A_99 = arith.index_cast %mul3A_96 : i32 to index
      %get3A_100 = tpu.vector_load %arg7[%get3A_98, %get3A_99] {strides = array<i32>} : memref<16x640xf32, #tpu.memory_space<vmem>>, vector<16xf32>,
      %add3A_101 = arith.addf %add3A_94, %get3A_100 : vector<16xf32>
      %mul3A_102 = arith.constant 16 : i32
      %mul3A_103 = arith.muli %scan3A_23, %mul3A_102 : i32
      %get3A_104 = arith.constant 11 : i32
      %get3A_105 = arith.index_cast %get3A_104 : i32 to index
      %get3A_106 = arith.index_cast %mul3A_103 : i32 to index
      %get3A_107 = tpu.vector_load %arg7[%get3A_105, %get3A_106] {strides = array<i32>} : memref<16x640xf32, #tpu.memory_space<vmem>>, vector<16xf32>,
      %add3A_108 = arith.addf %add3A_101, %get3A_107 : vector<16xf32>
      %mul3A_109 = arith.constant 16 : i32
      %mul3A_110 = arith.muli %scan3A_23, %mul3A_109 : i32
      %get3A_111 = arith.constant 12 : i32
      %get3A_112 = arith.index_cast %get3A_111 : i32 to index
      %get3A_113 = arith.index_cast %mul3A_110 : i32 to index
      %get3A_114 = tpu.vector_load %arg7[%get3A_112, %get3A_113] {strides = array<i32>} : memref<16x640xf32, #tpu.memory_space<vmem>>, vector<16xf32>,
      %add3A_115 = arith.addf %add3A_108, %get3A_114 : vector<16xf32>
      %mul3A_116 = arith.constant 16 : i32
      %mul3A_117 = arith.muli %scan3A_23, %mul3A_116 : i32
      %get3A_118 = arith.constant 13 : i32
      %get3A_119 = arith.index_cast %get3A_118 : i32 to index
      %get3A_120 = arith.index_cast %mul3A_117 : i32 to index
      %get3A_121 = tpu.vector_load %arg7[%get3A_119, %get3A_120] {strides = array<i32>} : memref<16x640xf32, #tpu.memory_space<vmem>>, vector<16xf32>,
      %add3A_122 = arith.addf %add3A_115, %get3A_121 : vector<16xf32>
      %mul3A_123 = arith.constant 16 : i32
      %mul3A_124 = arith.muli %scan3A_23, %mul3A_123 : i32
      %get3A_125 = arith.constant 14 : i32
      %get3A_126 = arith.index_cast %get3A_125 : i32 to index
      %get3A_127 = arith.index_cast %mul3A_124 : i32 to index
      %get3A_128 = tpu.vector_load %arg7[%get3A_126, %get3A_127] {strides = array<i32>} : memref<16x640xf32, #tpu.memory_space<vmem>>, vector<16xf32>,
      %add3A_129 = arith.addf %add3A_122, %get3A_128 : vector<16xf32>
      %mul3A_130 = arith.constant 16 : i32
      %mul3A_131 = arith.muli %scan3A_23, %mul3A_130 : i32
      %get3A_132 = arith.constant 15 : i32
      %get3A_133 = arith.index_cast %get3A_132 : i32 to index
      %get3A_134 = arith.index_cast %mul3A_131 : i32 to index
      %get3A_135 = tpu.vector_load %arg7[%get3A_133, %get3A_134] {strides = array<i32>} : memref<16x640xf32, #tpu.memory_space<vmem>>, vector<16xf32>,
      %add3A_136 = arith.addf %add3A_129, %get3A_135 : vector<16xf32>
      %mul3A_137 = arith.constant 16 : i32
      %mul3A_138 = arith.muli %scan3A_23, %mul3A_137 : i32
      %swap3A = arith.index_cast %mul3A_138 : i32 to index
      %swap3A_139 = tpu.vector_load %arg6[%swap3A] {strides = array<i32>} : memref<640xf32, #tpu.memory_space<vmem>>, vector<16xf32>,
      tpu.vector_store %arg6[%swap3A], %add3A_136 {strides = array<i32>} : memref<640xf32, #tpu.memory_space<vmem>>, vector<16xf32>,
    }
    %scan3A_22 = arith.constant 40 : i32
    "tpu.region"() ({
      %run_scoped3A = tpu.sem_alloc : memref<!tpu.dma_semaphore, #tpu.memory_space<semaphore_mem>>
      %dma_start3A = tpu.memref_slice %arg3[%arg0, %mul3A_16] : memref<2x10240xf32, #tpu.memory_space<hbm>> -> memref<1x640xf32, #tpu.memory_space<hbm>>
      %dma_start3A_23 = tpu.memref_squeeze %dma_start3A : memref<1x640xf32, #tpu.memory_space<hbm>> -> memref<640xf32, #tpu.memory_space<hbm>>
      %dma_start3A_24 = tpu.memref_slice %arg3[%arg0, %mul3A_16] : memref<2x10240xf32, #tpu.memory_space<hbm>> -> memref<1x640xf32, #tpu.memory_space<hbm>>
      %dma_start3A_25 = tpu.memref_squeeze %dma_start3A_24 : memref<1x640xf32, #tpu.memory_space<hbm>> -> memref<640xf32, #tpu.memory_space<hbm>>
      tpu.enqueue_dma source(%arg6 : memref<640xf32, #tpu.memory_space<vmem>>) target(%dma_start3A_25 : memref<640xf32, #tpu.memory_space<hbm>>) target_semaphore(%run_scoped3A : memref<!tpu.dma_semaphore, #tpu.memory_space<semaphore_mem>>)
      %dma_wait3A = tpu.memref_slice %arg3[%arg0, %mul3A_16] : memref<2x10240xf32, #tpu.memory_space<hbm>> -> memref<1x640xf32, #tpu.memory_space<hbm>>
      %dma_wait3A_26 = tpu.memref_squeeze %dma_wait3A : memref<1x640xf32, #tpu.memory_space<hbm>> -> memref<640xf32, #tpu.memory_space<hbm>>
      %dma_wait3A_27 = tpu.memref_slice %arg3[%arg0, %mul3A_16] : memref<2x10240xf32, #tpu.memory_space<hbm>> -> memref<1x640xf32, #tpu.memory_space<hbm>>
      %dma_wait3A_28 = tpu.memref_squeeze %dma_wait3A_27 : memref<1x640xf32, #tpu.memory_space<hbm>> -> memref<640xf32, #tpu.memory_space<hbm>>
      tpu.wait_dma2 semaphore(%run_scoped3A : memref<!tpu.dma_semaphore, #tpu.memory_space<semaphore_mem>>) src(%arg6 : memref<640xf32, #tpu.memory_space<vmem>>) dst(%dma_wait3A_28 : memref<640xf32, #tpu.memory_space<hbm>>)
      tpu.yield
    }) : () -> ()
    return
  }
}

#map = affine_map<(d0, d1) -> (0, 0, 0)>
#map1 = affine_map<(d0, d1) -> (0, 0)>
module attributes {stable_mosaic.version = 14 : i64} {
  func.func @_agg_body(%arg0: i32, %arg1: i32, %arg2: memref<16x250x80xi32, #tpu.memory_space<hbm>>, %arg3: memref<16x250x80xi32, #tpu.memory_space<hbm>>, %arg4: memref<10240x128xf32, #tpu.memory_space<hbm>>, %arg5: memref<10240x128xf32, #tpu.memory_space<hbm>>, %arg6: memref<250x80xi32, #tpu.memory_space<vmem>>, %arg7: memref<250x80xi32, #tpu.memory_space<vmem>>, %arg8: memref<80x128xf32, #tpu.memory_space<vmem>>, %arg9: memref<80x128xf32, #tpu.memory_space<vmem>>, %arg10: memref<5200x128xf32, #tpu.memory_space<vmem_shared>>, %arg11: memref<!tpu.dma_semaphore, #tpu.memory_space<semaphore_mem>>, %arg12: memref<!tpu.dma_semaphore, #tpu.memory_space<semaphore_mem>>) attributes {dimension_semantics = [#tpu.dimension_semantics<core_parallel>, #tpu.dimension_semantics<subcore_parallel>], iteration_bounds = array<i64: 2, 16>, scalar_prefetch = 0 : i64, scratch_operands = 7 : i64, tpu.core_type = #tpu.core_type<sc_vector_subcore>, window_params = [{transform_indices = #map}, {transform_indices = #map}, {transform_indices = #map1}, {transform_indices = #map1}]} {
    %mul3A = arith.constant 320 : i32
    %mul3A_0 = arith.muli %arg1, %mul3A : i32
    %broadcast_in_dim3A = arith.constant 0.000000e+00 : f32
    %broadcast_in_dim3A_1 = vector.broadcast %broadcast_in_dim3A : f32 to vector<16xf32>
    %scan3A = arith.constant 0 : i32
    %scan3A_2 = arith.constant 0 : i32
    %scan3A_3 = arith.constant 640 : i32
    %scan3A_4 = arith.addi %scan3A_2, %scan3A_3 : i32
    %scan3A_5 = arith.constant 1 : i32
    scf.for %scan3A_40 = %scan3A_2 to %scan3A_4 step %scan3A_5  : i32 {
      %jit3A = arith.constant 8 : i32
      %div3A = arith.divsi %scan3A_40, %jit3A : i32
      %sign3A = arith.constant 0 : i32
      %sign3A_41 = arith.cmpi sgt, %scan3A_40, %sign3A : i32
      %sign3A_42 = arith.extui %sign3A_41 : i1 to i32
      %sign3A_43 = arith.constant 0 : i32
      %sign3A_44 = arith.cmpi slt, %scan3A_40, %sign3A_43 : i32
      %sign3A_45 = arith.extui %sign3A_44 : i1 to i32
      %sign3A_46 = arith.subi %sign3A_42, %sign3A_45 : i32
      %sign3A_47 = arith.constant 0 : i32
      %sign3A_48 = arith.cmpi sgt, %jit3A, %sign3A_47 : i32
      %sign3A_49 = arith.extui %sign3A_48 : i1 to i32
      %sign3A_50 = arith.constant 0 : i32
      %sign3A_51 = arith.cmpi slt, %jit3A, %sign3A_50 : i32
      %sign3A_52 = arith.extui %sign3A_51 : i1 to i32
      %sign3A_53 = arith.subi %sign3A_49, %sign3A_52 : i32
      %ne3A = arith.cmpi ne, %sign3A_46, %sign3A_53 : i32
      %rem3A = arith.remsi %scan3A_40, %jit3A : i32
      %ne3A_54 = arith.constant 0 : i32
      %ne3A_55 = arith.cmpi ne, %rem3A, %ne3A_54 : i32
      %and3A = arith.andi %ne3A, %ne3A_55 : i1
      %sub3A = arith.constant 1 : i32
      %sub3A_56 = arith.subi %div3A, %sub3A : i32
      %select_n3A = arith.select %and3A, %sub3A_56, %div3A : i32
      %jit3A_57 = arith.constant 8 : i32
      %eq3A_58 = arith.constant 0 : i32
      %eq3A_59 = arith.cmpi eq, %jit3A_57, %eq3A_58 : i32
      %jit3A_60 = arith.constant 1 : i32
      %select_n3A_61 = arith.select %eq3A_59, %jit3A_60, %jit3A_57 : i32
      %rem3A_62 = arith.remsi %scan3A_40, %select_n3A_61 : i32
      %ne3A_63 = arith.constant 0 : i32
      %ne3A_64 = arith.cmpi ne, %rem3A_62, %ne3A_63 : i32
      %lt3A = arith.constant 0 : i32
      %lt3A_65 = arith.cmpi slt, %rem3A_62, %lt3A : i32
      %lt3A_66 = arith.constant 0 : i32
      %lt3A_67 = arith.cmpi slt, %select_n3A_61, %lt3A_66 : i32
      %ne3A_68 = arith.xori %lt3A_65, %lt3A_67 : i1
      %and3A_69 = arith.andi %ne3A_68, %ne3A_64 : i1
      %add3A_70 = arith.addi %rem3A_62, %select_n3A_61 : i32
      %select_n3A_71 = arith.select %and3A_69, %add3A_70, %rem3A_62 : i32
      %mul3A_72 = arith.constant 16 : i32
      %mul3A_73 = arith.muli %select_n3A_71, %mul3A_72 : i32
      %swap3A = arith.index_cast %select_n3A : i32 to index
      %swap3A_74 = arith.index_cast %mul3A_73 : i32 to index
      %swap3A_75 = tpu.vector_load %arg8[%swap3A, %swap3A_74] {strides = array<i32>} : memref<80x128xf32, #tpu.memory_space<vmem>>, vector<16xf32>,
      tpu.vector_store %arg8[%swap3A, %swap3A_74], %broadcast_in_dim3A_1 {strides = array<i32>} : memref<80x128xf32, #tpu.memory_space<vmem>>, vector<16xf32>,
    }
    %scan3A_6 = arith.constant 640 : i32
    %add3A = arith.constant 0 : i32
    %add3A_7 = arith.addi %mul3A_0, %add3A : i32
    "tpu.region"() ({
      %run_scoped3A = tpu.sem_alloc : memref<!tpu.dma_semaphore, #tpu.memory_space<semaphore_mem>>
      %dma_start3A_40 = arith.constant 0 : i32
      %dma_start3A_41 = tpu.memref_slice %arg10[%add3A_7, %dma_start3A_40] : memref<5200x128xf32, #tpu.memory_space<vmem_shared>> -> memref<80x128xf32, #tpu.memory_space<vmem_shared>>
      %dma_start3A_42 = arith.constant 0 : i32
      %dma_start3A_43 = tpu.memref_slice %arg10[%add3A_7, %dma_start3A_42] : memref<5200x128xf32, #tpu.memory_space<vmem_shared>> -> memref<80x128xf32, #tpu.memory_space<vmem_shared>>
      tpu.enqueue_dma source(%arg8 : memref<80x128xf32, #tpu.memory_space<vmem>>) target(%dma_start3A_43 : memref<80x128xf32, #tpu.memory_space<vmem_shared>>) target_semaphore(%run_scoped3A : memref<!tpu.dma_semaphore, #tpu.memory_space<semaphore_mem>>)
      %dma_wait3A = arith.constant 0 : i32
      %dma_wait3A_44 = tpu.memref_slice %arg10[%add3A_7, %dma_wait3A] : memref<5200x128xf32, #tpu.memory_space<vmem_shared>> -> memref<80x128xf32, #tpu.memory_space<vmem_shared>>
      %dma_wait3A_45 = arith.constant 0 : i32
      %dma_wait3A_46 = tpu.memref_slice %arg10[%add3A_7, %dma_wait3A_45] : memref<5200x128xf32, #tpu.memory_space<vmem_shared>> -> memref<80x128xf32, #tpu.memory_space<vmem_shared>>
      tpu.wait_dma2 semaphore(%run_scoped3A : memref<!tpu.dma_semaphore, #tpu.memory_space<semaphore_mem>>) src(%arg8 : memref<80x128xf32, #tpu.memory_space<vmem>>) dst(%dma_wait3A_46 : memref<80x128xf32, #tpu.memory_space<vmem_shared>>)
      tpu.yield
    }) : () -> ()
    %add3A_8 = arith.constant 80 : i32
    %add3A_9 = arith.addi %mul3A_0, %add3A_8 : i32
    "tpu.region"() ({
      %run_scoped3A = tpu.sem_alloc : memref<!tpu.dma_semaphore, #tpu.memory_space<semaphore_mem>>
      %dma_start3A_40 = arith.constant 0 : i32
      %dma_start3A_41 = tpu.memref_slice %arg10[%add3A_9, %dma_start3A_40] : memref<5200x128xf32, #tpu.memory_space<vmem_shared>> -> memref<80x128xf32, #tpu.memory_space<vmem_shared>>
      %dma_start3A_42 = arith.constant 0 : i32
      %dma_start3A_43 = tpu.memref_slice %arg10[%add3A_9, %dma_start3A_42] : memref<5200x128xf32, #tpu.memory_space<vmem_shared>> -> memref<80x128xf32, #tpu.memory_space<vmem_shared>>
      tpu.enqueue_dma source(%arg8 : memref<80x128xf32, #tpu.memory_space<vmem>>) target(%dma_start3A_43 : memref<80x128xf32, #tpu.memory_space<vmem_shared>>) target_semaphore(%run_scoped3A : memref<!tpu.dma_semaphore, #tpu.memory_space<semaphore_mem>>)
      %dma_wait3A = arith.constant 0 : i32
      %dma_wait3A_44 = tpu.memref_slice %arg10[%add3A_9, %dma_wait3A] : memref<5200x128xf32, #tpu.memory_space<vmem_shared>> -> memref<80x128xf32, #tpu.memory_space<vmem_shared>>
      %dma_wait3A_45 = arith.constant 0 : i32
      %dma_wait3A_46 = tpu.memref_slice %arg10[%add3A_9, %dma_wait3A_45] : memref<5200x128xf32, #tpu.memory_space<vmem_shared>> -> memref<80x128xf32, #tpu.memory_space<vmem_shared>>
      tpu.wait_dma2 semaphore(%run_scoped3A : memref<!tpu.dma_semaphore, #tpu.memory_space<semaphore_mem>>) src(%arg8 : memref<80x128xf32, #tpu.memory_space<vmem>>) dst(%dma_wait3A_46 : memref<80x128xf32, #tpu.memory_space<vmem_shared>>)
      tpu.yield
    }) : () -> ()
    %add3A_10 = arith.constant 160 : i32
    %add3A_11 = arith.addi %mul3A_0, %add3A_10 : i32
    "tpu.region"() ({
      %run_scoped3A = tpu.sem_alloc : memref<!tpu.dma_semaphore, #tpu.memory_space<semaphore_mem>>
      %dma_start3A_40 = arith.constant 0 : i32
      %dma_start3A_41 = tpu.memref_slice %arg10[%add3A_11, %dma_start3A_40] : memref<5200x128xf32, #tpu.memory_space<vmem_shared>> -> memref<80x128xf32, #tpu.memory_space<vmem_shared>>
      %dma_start3A_42 = arith.constant 0 : i32
      %dma_start3A_43 = tpu.memref_slice %arg10[%add3A_11, %dma_start3A_42] : memref<5200x128xf32, #tpu.memory_space<vmem_shared>> -> memref<80x128xf32, #tpu.memory_space<vmem_shared>>
      tpu.enqueue_dma source(%arg8 : memref<80x128xf32, #tpu.memory_space<vmem>>) target(%dma_start3A_43 : memref<80x128xf32, #tpu.memory_space<vmem_shared>>) target_semaphore(%run_scoped3A : memref<!tpu.dma_semaphore, #tpu.memory_space<semaphore_mem>>)
      %dma_wait3A = arith.constant 0 : i32
      %dma_wait3A_44 = tpu.memref_slice %arg10[%add3A_11, %dma_wait3A] : memref<5200x128xf32, #tpu.memory_space<vmem_shared>> -> memref<80x128xf32, #tpu.memory_space<vmem_shared>>
      %dma_wait3A_45 = arith.constant 0 : i32
      %dma_wait3A_46 = tpu.memref_slice %arg10[%add3A_11, %dma_wait3A_45] : memref<5200x128xf32, #tpu.memory_space<vmem_shared>> -> memref<80x128xf32, #tpu.memory_space<vmem_shared>>
      tpu.wait_dma2 semaphore(%run_scoped3A : memref<!tpu.dma_semaphore, #tpu.memory_space<semaphore_mem>>) src(%arg8 : memref<80x128xf32, #tpu.memory_space<vmem>>) dst(%dma_wait3A_46 : memref<80x128xf32, #tpu.memory_space<vmem_shared>>)
      tpu.yield
    }) : () -> ()
    %add3A_12 = arith.constant 240 : i32
    %add3A_13 = arith.addi %mul3A_0, %add3A_12 : i32
    "tpu.region"() ({
      %run_scoped3A = tpu.sem_alloc : memref<!tpu.dma_semaphore, #tpu.memory_space<semaphore_mem>>
      %dma_start3A_40 = arith.constant 0 : i32
      %dma_start3A_41 = tpu.memref_slice %arg10[%add3A_13, %dma_start3A_40] : memref<5200x128xf32, #tpu.memory_space<vmem_shared>> -> memref<80x128xf32, #tpu.memory_space<vmem_shared>>
      %dma_start3A_42 = arith.constant 0 : i32
      %dma_start3A_43 = tpu.memref_slice %arg10[%add3A_13, %dma_start3A_42] : memref<5200x128xf32, #tpu.memory_space<vmem_shared>> -> memref<80x128xf32, #tpu.memory_space<vmem_shared>>
      tpu.enqueue_dma source(%arg8 : memref<80x128xf32, #tpu.memory_space<vmem>>) target(%dma_start3A_43 : memref<80x128xf32, #tpu.memory_space<vmem_shared>>) target_semaphore(%run_scoped3A : memref<!tpu.dma_semaphore, #tpu.memory_space<semaphore_mem>>)
      %dma_wait3A = arith.constant 0 : i32
      %dma_wait3A_44 = tpu.memref_slice %arg10[%add3A_13, %dma_wait3A] : memref<5200x128xf32, #tpu.memory_space<vmem_shared>> -> memref<80x128xf32, #tpu.memory_space<vmem_shared>>
      %dma_wait3A_45 = arith.constant 0 : i32
      %dma_wait3A_46 = tpu.memref_slice %arg10[%add3A_13, %dma_wait3A_45] : memref<5200x128xf32, #tpu.memory_space<vmem_shared>> -> memref<80x128xf32, #tpu.memory_space<vmem_shared>>
      tpu.wait_dma2 semaphore(%run_scoped3A : memref<!tpu.dma_semaphore, #tpu.memory_space<semaphore_mem>>) src(%arg8 : memref<80x128xf32, #tpu.memory_space<vmem>>) dst(%dma_wait3A_46 : memref<80x128xf32, #tpu.memory_space<vmem_shared>>)
      tpu.yield
    }) : () -> ()
    %eq3A = arith.constant 0 : i32
    %eq3A_14 = arith.cmpi eq, %arg1, %eq3A : i32
    %convert_element_type3A = arith.extui %eq3A_14 : i1 to i32
    %cond3A = arith.constant 0 : i32
    %cond3A_15 = arith.cmpi ne, %convert_element_type3A, %cond3A : i32
    scf.if %cond3A_15 {
      "tpu.region"() ({
        %run_scoped3A = tpu.sem_alloc : memref<!tpu.dma_semaphore, #tpu.memory_space<semaphore_mem>>
        %dma_start3A_40 = arith.constant 5120 : i32
        %dma_start3A_41 = arith.constant 0 : i32
        %dma_start3A_42 = tpu.memref_slice %arg10[%dma_start3A_40, %dma_start3A_41] : memref<5200x128xf32, #tpu.memory_space<vmem_shared>> -> memref<80x128xf32, #tpu.memory_space<vmem_shared>>
        %dma_start3A_43 = arith.constant 5120 : i32
        %dma_start3A_44 = arith.constant 0 : i32
        %dma_start3A_45 = tpu.memref_slice %arg10[%dma_start3A_43, %dma_start3A_44] : memref<5200x128xf32, #tpu.memory_space<vmem_shared>> -> memref<80x128xf32, #tpu.memory_space<vmem_shared>>
        tpu.enqueue_dma source(%arg8 : memref<80x128xf32, #tpu.memory_space<vmem>>) target(%dma_start3A_45 : memref<80x128xf32, #tpu.memory_space<vmem_shared>>) target_semaphore(%run_scoped3A : memref<!tpu.dma_semaphore, #tpu.memory_space<semaphore_mem>>)
        %dma_wait3A = arith.constant 5120 : i32
        %dma_wait3A_46 = arith.constant 0 : i32
        %dma_wait3A_47 = tpu.memref_slice %arg10[%dma_wait3A, %dma_wait3A_46] : memref<5200x128xf32, #tpu.memory_space<vmem_shared>> -> memref<80x128xf32, #tpu.memory_space<vmem_shared>>
        %dma_wait3A_48 = arith.constant 5120 : i32
        %dma_wait3A_49 = arith.constant 0 : i32
        %dma_wait3A_50 = tpu.memref_slice %arg10[%dma_wait3A_48, %dma_wait3A_49] : memref<5200x128xf32, #tpu.memory_space<vmem_shared>> -> memref<80x128xf32, #tpu.memory_space<vmem_shared>>
        tpu.wait_dma2 semaphore(%run_scoped3A : memref<!tpu.dma_semaphore, #tpu.memory_space<semaphore_mem>>) src(%arg8 : memref<80x128xf32, #tpu.memory_space<vmem>>) dst(%dma_wait3A_50 : memref<80x128xf32, #tpu.memory_space<vmem_shared>>)
        tpu.yield
      }) : () -> ()
    } else {
    }
    "tpu.region"() ({
      %run_scoped3A = tpu.sem_alloc : memref<!tpu.dma_semaphore, #tpu.memory_space<semaphore_mem>>
      %dma_start3A_40 = arith.constant 0 : i32
      %dma_start3A_41 = arith.constant 0 : i32
      %dma_start3A_42 = tpu.memref_slice %arg2[%arg1, %dma_start3A_40, %dma_start3A_41] : memref<16x250x80xi32, #tpu.memory_space<hbm>> -> memref<1x250x80xi32, #tpu.memory_space<hbm>>
      %dma_start3A_43 = tpu.memref_squeeze %dma_start3A_42 : memref<1x250x80xi32, #tpu.memory_space<hbm>> -> memref<250x80xi32, #tpu.memory_space<hbm>>
      %dma_start3A_44 = arith.constant 0 : i32
      %dma_start3A_45 = arith.constant 0 : i32
      %dma_start3A_46 = tpu.memref_slice %arg2[%arg1, %dma_start3A_44, %dma_start3A_45] : memref<16x250x80xi32, #tpu.memory_space<hbm>> -> memref<1x250x80xi32, #tpu.memory_space<hbm>>
      %dma_start3A_47 = tpu.memref_squeeze %dma_start3A_46 : memref<1x250x80xi32, #tpu.memory_space<hbm>> -> memref<250x80xi32, #tpu.memory_space<hbm>>
      tpu.enqueue_dma source(%dma_start3A_47 : memref<250x80xi32, #tpu.memory_space<hbm>>) target(%arg6 : memref<250x80xi32, #tpu.memory_space<vmem>>) target_semaphore(%run_scoped3A : memref<!tpu.dma_semaphore, #tpu.memory_space<semaphore_mem>>)
      %dma_wait3A = arith.constant 0 : i32
      %dma_wait3A_48 = arith.constant 0 : i32
      %dma_wait3A_49 = tpu.memref_slice %arg2[%arg1, %dma_wait3A, %dma_wait3A_48] : memref<16x250x80xi32, #tpu.memory_space<hbm>> -> memref<1x250x80xi32, #tpu.memory_space<hbm>>
      %dma_wait3A_50 = tpu.memref_squeeze %dma_wait3A_49 : memref<1x250x80xi32, #tpu.memory_space<hbm>> -> memref<250x80xi32, #tpu.memory_space<hbm>>
      %dma_wait3A_51 = arith.constant 0 : i32
      %dma_wait3A_52 = arith.constant 0 : i32
      %dma_wait3A_53 = tpu.memref_slice %arg2[%arg1, %dma_wait3A_51, %dma_wait3A_52] : memref<16x250x80xi32, #tpu.memory_space<hbm>> -> memref<1x250x80xi32, #tpu.memory_space<hbm>>
      %dma_wait3A_54 = tpu.memref_squeeze %dma_wait3A_53 : memref<1x250x80xi32, #tpu.memory_space<hbm>> -> memref<250x80xi32, #tpu.memory_space<hbm>>
      tpu.wait_dma2 semaphore(%run_scoped3A : memref<!tpu.dma_semaphore, #tpu.memory_space<semaphore_mem>>) src(%dma_wait3A_54 : memref<250x80xi32, #tpu.memory_space<hbm>>) dst(%arg6 : memref<250x80xi32, #tpu.memory_space<vmem>>)
      tpu.yield
    }) : () -> ()
    "tpu.region"() ({
      %run_scoped3A = tpu.sem_alloc : memref<!tpu.dma_semaphore, #tpu.memory_space<semaphore_mem>>
      %dma_start3A_40 = arith.constant 0 : i32
      %dma_start3A_41 = arith.constant 0 : i32
      %dma_start3A_42 = tpu.memref_slice %arg3[%arg1, %dma_start3A_40, %dma_start3A_41] : memref<16x250x80xi32, #tpu.memory_space<hbm>> -> memref<1x250x80xi32, #tpu.memory_space<hbm>>
      %dma_start3A_43 = tpu.memref_squeeze %dma_start3A_42 : memref<1x250x80xi32, #tpu.memory_space<hbm>> -> memref<250x80xi32, #tpu.memory_space<hbm>>
      %dma_start3A_44 = arith.constant 0 : i32
      %dma_start3A_45 = arith.constant 0 : i32
      %dma_start3A_46 = tpu.memref_slice %arg3[%arg1, %dma_start3A_44, %dma_start3A_45] : memref<16x250x80xi32, #tpu.memory_space<hbm>> -> memref<1x250x80xi32, #tpu.memory_space<hbm>>
      %dma_start3A_47 = tpu.memref_squeeze %dma_start3A_46 : memref<1x250x80xi32, #tpu.memory_space<hbm>> -> memref<250x80xi32, #tpu.memory_space<hbm>>
      tpu.enqueue_dma source(%dma_start3A_47 : memref<250x80xi32, #tpu.memory_space<hbm>>) target(%arg7 : memref<250x80xi32, #tpu.memory_space<vmem>>) target_semaphore(%run_scoped3A : memref<!tpu.dma_semaphore, #tpu.memory_space<semaphore_mem>>)
      %dma_wait3A = arith.constant 0 : i32
      %dma_wait3A_48 = arith.constant 0 : i32
      %dma_wait3A_49 = tpu.memref_slice %arg3[%arg1, %dma_wait3A, %dma_wait3A_48] : memref<16x250x80xi32, #tpu.memory_space<hbm>> -> memref<1x250x80xi32, #tpu.memory_space<hbm>>
      %dma_wait3A_50 = tpu.memref_squeeze %dma_wait3A_49 : memref<1x250x80xi32, #tpu.memory_space<hbm>> -> memref<250x80xi32, #tpu.memory_space<hbm>>
      %dma_wait3A_51 = arith.constant 0 : i32
      %dma_wait3A_52 = arith.constant 0 : i32
      %dma_wait3A_53 = tpu.memref_slice %arg3[%arg1, %dma_wait3A_51, %dma_wait3A_52] : memref<16x250x80xi32, #tpu.memory_space<hbm>> -> memref<1x250x80xi32, #tpu.memory_space<hbm>>
      %dma_wait3A_54 = tpu.memref_squeeze %dma_wait3A_53 : memref<1x250x80xi32, #tpu.memory_space<hbm>> -> memref<250x80xi32, #tpu.memory_space<hbm>>
      tpu.wait_dma2 semaphore(%run_scoped3A : memref<!tpu.dma_semaphore, #tpu.memory_space<semaphore_mem>>) src(%dma_wait3A_54 : memref<250x80xi32, #tpu.memory_space<hbm>>) dst(%arg7 : memref<250x80xi32, #tpu.memory_space<vmem>>)
      tpu.yield
    }) : () -> ()
    %mul3A_16 = arith.constant 5120 : i32
    %mul3A_17 = arith.muli %arg0, %mul3A_16 : i32
    %scan3A_18 = arith.constant 0 : i32
    %scan3A_19 = arith.constant 0 : i32
    %scan3A_20 = arith.constant 250 : i32
    %scan3A_21 = arith.addi %scan3A_19, %scan3A_20 : i32
    %scan3A_22 = arith.constant 1 : i32
    scf.for %scan3A_40 = %scan3A_19 to %scan3A_21 step %scan3A_22  : i32 {
      %get3A = arith.index_cast %scan3A_40 : i32 to index
      %get3A_41 = arith.constant 0 : index
      %get3A_42 = tpu.vector_load %arg7[%get3A, %get3A_41] {strides = array<i32>} : memref<250x80xi32, #tpu.memory_space<vmem>>, vector<16xi32>,
      %sub3A = vector.broadcast %mul3A_17 : i32 to vector<16xi32>
      %sub3A_43 = arith.subi %get3A_42, %sub3A : vector<16xi32>
      %ge3A = arith.constant 0 : i32
      %ge3A_44 = vector.broadcast %ge3A : i32 to vector<16xi32>
      %ge3A_45 = arith.cmpi sge, %sub3A_43, %ge3A_44 : vector<16xi32>
      %lt3A = arith.constant 5120 : i32
      %lt3A_46 = vector.broadcast %lt3A : i32 to vector<16xi32>
      %lt3A_47 = arith.cmpi slt, %sub3A_43, %lt3A_46 : vector<16xi32>
      %and3A = arith.andi %ge3A_45, %lt3A_47 : vector<16xi1>
      %jit3A = arith.constant 5120 : i32
      %broadcast_in_dim3A_48 = vector.broadcast %jit3A : i32 to vector<16xi32>
      %select_n3A = arith.select %and3A, %sub3A_43, %broadcast_in_dim3A_48 : vector<16xi1>, vector<16xi32>
      %swap3A = arith.index_cast %scan3A_40 : i32 to index
      %swap3A_49 = arith.constant 0 : index
      %swap3A_50 = tpu.vector_load %arg7[%swap3A, %swap3A_49] {strides = array<i32>} : memref<250x80xi32, #tpu.memory_space<vmem>>, vector<16xi32>,
      tpu.vector_store %arg7[%swap3A, %swap3A_49], %select_n3A {strides = array<i32>} : memref<250x80xi32, #tpu.memory_space<vmem>>, vector<16xi32>,
      %get3A_51 = arith.index_cast %scan3A_40 : i32 to index
      %get3A_52 = arith.constant 16 : index
      %get3A_53 = tpu.vector_load %arg7[%get3A_51, %get3A_52] {strides = array<i32>} : memref<250x80xi32, #tpu.memory_space<vmem>>, vector<16xi32>,
      %sub3A_54 = vector.broadcast %mul3A_17 : i32 to vector<16xi32>
      %sub3A_55 = arith.subi %get3A_53, %sub3A_54 : vector<16xi32>
      %ge3A_56 = arith.constant 0 : i32
      %ge3A_57 = vector.broadcast %ge3A_56 : i32 to vector<16xi32>
      %ge3A_58 = arith.cmpi sge, %sub3A_55, %ge3A_57 : vector<16xi32>
      %lt3A_59 = arith.constant 5120 : i32
      %lt3A_60 = vector.broadcast %lt3A_59 : i32 to vector<16xi32>
      %lt3A_61 = arith.cmpi slt, %sub3A_55, %lt3A_60 : vector<16xi32>
      %and3A_62 = arith.andi %ge3A_58, %lt3A_61 : vector<16xi1>
      %jit3A_63 = arith.constant 5120 : i32
      %broadcast_in_dim3A_64 = vector.broadcast %jit3A_63 : i32 to vector<16xi32>
      %select_n3A_65 = arith.select %and3A_62, %sub3A_55, %broadcast_in_dim3A_64 : vector<16xi1>, vector<16xi32>
      %swap3A_66 = arith.index_cast %scan3A_40 : i32 to index
      %swap3A_67 = arith.constant 16 : index
      %swap3A_68 = tpu.vector_load %arg7[%swap3A_66, %swap3A_67] {strides = array<i32>} : memref<250x80xi32, #tpu.memory_space<vmem>>, vector<16xi32>,
      tpu.vector_store %arg7[%swap3A_66, %swap3A_67], %select_n3A_65 {strides = array<i32>} : memref<250x80xi32, #tpu.memory_space<vmem>>, vector<16xi32>,
      %get3A_69 = arith.index_cast %scan3A_40 : i32 to index
      %get3A_70 = arith.constant 32 : index
      %get3A_71 = tpu.vector_load %arg7[%get3A_69, %get3A_70] {strides = array<i32>} : memref<250x80xi32, #tpu.memory_space<vmem>>, vector<16xi32>,
      %sub3A_72 = vector.broadcast %mul3A_17 : i32 to vector<16xi32>
      %sub3A_73 = arith.subi %get3A_71, %sub3A_72 : vector<16xi32>
      %ge3A_74 = arith.constant 0 : i32
      %ge3A_75 = vector.broadcast %ge3A_74 : i32 to vector<16xi32>
      %ge3A_76 = arith.cmpi sge, %sub3A_73, %ge3A_75 : vector<16xi32>
      %lt3A_77 = arith.constant 5120 : i32
      %lt3A_78 = vector.broadcast %lt3A_77 : i32 to vector<16xi32>
      %lt3A_79 = arith.cmpi slt, %sub3A_73, %lt3A_78 : vector<16xi32>
      %and3A_80 = arith.andi %ge3A_76, %lt3A_79 : vector<16xi1>
      %jit3A_81 = arith.constant 5120 : i32
      %broadcast_in_dim3A_82 = vector.broadcast %jit3A_81 : i32 to vector<16xi32>
      %select_n3A_83 = arith.select %and3A_80, %sub3A_73, %broadcast_in_dim3A_82 : vector<16xi1>, vector<16xi32>
      %swap3A_84 = arith.index_cast %scan3A_40 : i32 to index
      %swap3A_85 = arith.constant 32 : index
      %swap3A_86 = tpu.vector_load %arg7[%swap3A_84, %swap3A_85] {strides = array<i32>} : memref<250x80xi32, #tpu.memory_space<vmem>>, vector<16xi32>,
      tpu.vector_store %arg7[%swap3A_84, %swap3A_85], %select_n3A_83 {strides = array<i32>} : memref<250x80xi32, #tpu.memory_space<vmem>>, vector<16xi32>,
      %get3A_87 = arith.index_cast %scan3A_40 : i32 to index
      %get3A_88 = arith.constant 48 : index
      %get3A_89 = tpu.vector_load %arg7[%get3A_87, %get3A_88] {strides = array<i32>} : memref<250x80xi32, #tpu.memory_space<vmem>>, vector<16xi32>,
      %sub3A_90 = vector.broadcast %mul3A_17 : i32 to vector<16xi32>
      %sub3A_91 = arith.subi %get3A_89, %sub3A_90 : vector<16xi32>
      %ge3A_92 = arith.constant 0 : i32
      %ge3A_93 = vector.broadcast %ge3A_92 : i32 to vector<16xi32>
      %ge3A_94 = arith.cmpi sge, %sub3A_91, %ge3A_93 : vector<16xi32>
      %lt3A_95 = arith.constant 5120 : i32
      %lt3A_96 = vector.broadcast %lt3A_95 : i32 to vector<16xi32>
      %lt3A_97 = arith.cmpi slt, %sub3A_91, %lt3A_96 : vector<16xi32>
      %and3A_98 = arith.andi %ge3A_94, %lt3A_97 : vector<16xi1>
      %jit3A_99 = arith.constant 5120 : i32
      %broadcast_in_dim3A_100 = vector.broadcast %jit3A_99 : i32 to vector<16xi32>
      %select_n3A_101 = arith.select %and3A_98, %sub3A_91, %broadcast_in_dim3A_100 : vector<16xi1>, vector<16xi32>
      %swap3A_102 = arith.index_cast %scan3A_40 : i32 to index
      %swap3A_103 = arith.constant 48 : index
      %swap3A_104 = tpu.vector_load %arg7[%swap3A_102, %swap3A_103] {strides = array<i32>} : memref<250x80xi32, #tpu.memory_space<vmem>>, vector<16xi32>,
      tpu.vector_store %arg7[%swap3A_102, %swap3A_103], %select_n3A_101 {strides = array<i32>} : memref<250x80xi32, #tpu.memory_space<vmem>>, vector<16xi32>,
      %get3A_105 = arith.index_cast %scan3A_40 : i32 to index
      %get3A_106 = arith.constant 64 : index
      %get3A_107 = tpu.vector_load %arg7[%get3A_105, %get3A_106] {strides = array<i32>} : memref<250x80xi32, #tpu.memory_space<vmem>>, vector<16xi32>,
      %sub3A_108 = vector.broadcast %mul3A_17 : i32 to vector<16xi32>
      %sub3A_109 = arith.subi %get3A_107, %sub3A_108 : vector<16xi32>
      %ge3A_110 = arith.constant 0 : i32
      %ge3A_111 = vector.broadcast %ge3A_110 : i32 to vector<16xi32>
      %ge3A_112 = arith.cmpi sge, %sub3A_109, %ge3A_111 : vector<16xi32>
      %lt3A_113 = arith.constant 5120 : i32
      %lt3A_114 = vector.broadcast %lt3A_113 : i32 to vector<16xi32>
      %lt3A_115 = arith.cmpi slt, %sub3A_109, %lt3A_114 : vector<16xi32>
      %and3A_116 = arith.andi %ge3A_112, %lt3A_115 : vector<16xi1>
      %jit3A_117 = arith.constant 5120 : i32
      %broadcast_in_dim3A_118 = vector.broadcast %jit3A_117 : i32 to vector<16xi32>
      %select_n3A_119 = arith.select %and3A_116, %sub3A_109, %broadcast_in_dim3A_118 : vector<16xi1>, vector<16xi32>
      %swap3A_120 = arith.index_cast %scan3A_40 : i32 to index
      %swap3A_121 = arith.constant 64 : index
      %swap3A_122 = tpu.vector_load %arg7[%swap3A_120, %swap3A_121] {strides = array<i32>} : memref<250x80xi32, #tpu.memory_space<vmem>>, vector<16xi32>,
      tpu.vector_store %arg7[%swap3A_120, %swap3A_121], %select_n3A_119 {strides = array<i32>} : memref<250x80xi32, #tpu.memory_space<vmem>>, vector<16xi32>,
    }
    %scan3A_23 = arith.constant 250 : i32
    %barrier3A = arith.constant 0 : index
    tpu.barrier barrier_id(%barrier3A)
    %dma_start3A = arith.constant 0 : i32
    %dma_start3A_24 = arith.constant 0 : i32
    %dma_start3A_25 = tpu.memref_slice %arg6[%dma_start3A, %dma_start3A_24] : memref<250x80xi32, #tpu.memory_space<vmem>> -> memref<1x80xi32, #tpu.memory_space<vmem>>
    %dma_start3A_26 = tpu.memref_squeeze %dma_start3A_25 : memref<1x80xi32, #tpu.memory_space<vmem>> -> memref<80xi32, #tpu.memory_space<vmem>>
    %dma_start3A_27 = arith.constant 0 : i32
    %dma_start3A_28 = arith.constant 0 : i32
    %dma_start3A_29 = tpu.memref_slice %arg4[%dma_start3A_27, %dma_start3A_28] : memref<10240x128xf32, #tpu.memory_space<hbm>> -> memref<10240x128xf32, #tpu.memory_space<hbm>>
    tpu.enqueue_indirect_dma source(%dma_start3A_29 : memref<10240x128xf32, #tpu.memory_space<hbm>>) target(%arg8 : memref<80x128xf32, #tpu.memory_space<vmem>>) offsets(%dma_start3A_26 : memref<80xi32, #tpu.memory_space<vmem>>) semaphore(%arg11 : memref<!tpu.dma_semaphore, #tpu.memory_space<semaphore_mem>>)
    %scan3A_30 = arith.constant 0 : i32
    %scan3A_31 = arith.constant 0 : i32
    %scan3A_32 = arith.constant 125 : i32
    %scan3A_33 = arith.addi %scan3A_31, %scan3A_32 : i32
    %scan3A_34 = arith.constant 1 : i32
    scf.for %scan3A_40 = %scan3A_31 to %scan3A_33 step %scan3A_34  : i32 {
      %mul3A_41 = arith.constant 2 : i32
      %mul3A_42 = arith.muli %mul3A_41, %scan3A_40 : i32
      %dma_wait3A = arith.constant 0 : i32
      %dma_wait3A_43 = tpu.memref_slice %arg6[%mul3A_42, %dma_wait3A] : memref<250x80xi32, #tpu.memory_space<vmem>> -> memref<1x80xi32, #tpu.memory_space<vmem>>
      %dma_wait3A_44 = tpu.memref_squeeze %dma_wait3A_43 : memref<1x80xi32, #tpu.memory_space<vmem>> -> memref<80xi32, #tpu.memory_space<vmem>>
      %dma_wait3A_45 = arith.constant 0 : i32
      %dma_wait3A_46 = arith.constant 0 : i32
      %dma_wait3A_47 = tpu.memref_slice %arg4[%dma_wait3A_45, %dma_wait3A_46] : memref<10240x128xf32, #tpu.memory_space<hbm>> -> memref<10240x128xf32, #tpu.memory_space<hbm>>
      tpu.wait_indirect_dma semaphore(%arg11 : memref<!tpu.dma_semaphore, #tpu.memory_space<semaphore_mem>>) src(%dma_wait3A_47 : memref<10240x128xf32, #tpu.memory_space<hbm>>) dst(%arg8 : memref<80x128xf32, #tpu.memory_space<vmem>>)
      %add3A_48 = arith.constant 1 : i32
      %add3A_49 = arith.addi %mul3A_42, %add3A_48 : i32
      %dma_start3A_50 = arith.constant 0 : i32
      %dma_start3A_51 = tpu.memref_slice %arg6[%add3A_49, %dma_start3A_50] : memref<250x80xi32, #tpu.memory_space<vmem>> -> memref<1x80xi32, #tpu.memory_space<vmem>>
      %dma_start3A_52 = tpu.memref_squeeze %dma_start3A_51 : memref<1x80xi32, #tpu.memory_space<vmem>> -> memref<80xi32, #tpu.memory_space<vmem>>
      %dma_start3A_53 = arith.constant 0 : i32
      %dma_start3A_54 = arith.constant 0 : i32
      %dma_start3A_55 = tpu.memref_slice %arg4[%dma_start3A_53, %dma_start3A_54] : memref<10240x128xf32, #tpu.memory_space<hbm>> -> memref<10240x128xf32, #tpu.memory_space<hbm>>
      tpu.enqueue_indirect_dma source(%dma_start3A_55 : memref<10240x128xf32, #tpu.memory_space<hbm>>) target(%arg9 : memref<80x128xf32, #tpu.memory_space<vmem>>) offsets(%dma_start3A_52 : memref<80xi32, #tpu.memory_space<vmem>>) semaphore(%arg12 : memref<!tpu.dma_semaphore, #tpu.memory_space<semaphore_mem>>)
      "tpu.region"() ({
        %run_scoped3A = tpu.sem_alloc : memref<!tpu.dma_semaphore, #tpu.memory_space<semaphore_mem>>
        %dma_start3A_72 = arith.constant 0 : i32
        %dma_start3A_73 = tpu.memref_slice %arg7[%mul3A_42, %dma_start3A_72] : memref<250x80xi32, #tpu.memory_space<vmem>> -> memref<1x80xi32, #tpu.memory_space<vmem>>
        %dma_start3A_74 = tpu.memref_squeeze %dma_start3A_73 : memref<1x80xi32, #tpu.memory_space<vmem>> -> memref<80xi32, #tpu.memory_space<vmem>>
        %dma_start3A_75 = arith.constant 0 : i32
        %dma_start3A_76 = arith.constant 0 : i32
        %dma_start3A_77 = tpu.memref_slice %arg10[%dma_start3A_75, %dma_start3A_76] : memref<5200x128xf32, #tpu.memory_space<vmem_shared>> -> memref<5200x128xf32, #tpu.memory_space<vmem_shared>>
        tpu.enqueue_indirect_dma source(%arg8 : memref<80x128xf32, #tpu.memory_space<vmem>>) target(%dma_start3A_77 : memref<5200x128xf32, #tpu.memory_space<vmem_shared>>) offsets(%dma_start3A_74 : memref<80xi32, #tpu.memory_space<vmem>>) semaphore(%run_scoped3A : memref<!tpu.dma_semaphore, #tpu.memory_space<semaphore_mem>>) {add = true}
        %dma_wait3A_78 = arith.constant 0 : i32
        %dma_wait3A_79 = tpu.memref_slice %arg7[%mul3A_42, %dma_wait3A_78] : memref<250x80xi32, #tpu.memory_space<vmem>> -> memref<1x80xi32, #tpu.memory_space<vmem>>
        %dma_wait3A_80 = tpu.memref_squeeze %dma_wait3A_79 : memref<1x80xi32, #tpu.memory_space<vmem>> -> memref<80xi32, #tpu.memory_space<vmem>>
        %dma_wait3A_81 = arith.constant 0 : i32
        %dma_wait3A_82 = arith.constant 0 : i32
        %dma_wait3A_83 = tpu.memref_slice %arg10[%dma_wait3A_81, %dma_wait3A_82] : memref<5200x128xf32, #tpu.memory_space<vmem_shared>> -> memref<5200x128xf32, #tpu.memory_space<vmem_shared>>
        tpu.wait_indirect_dma semaphore(%run_scoped3A : memref<!tpu.dma_semaphore, #tpu.memory_space<semaphore_mem>>) src(%arg8 : memref<80x128xf32, #tpu.memory_space<vmem>>) dst(%dma_wait3A_83 : memref<5200x128xf32, #tpu.memory_space<vmem_shared>>)
        tpu.yield
      }) : () -> ()
      %add3A_56 = arith.constant 1 : i32
      %add3A_57 = arith.addi %mul3A_42, %add3A_56 : i32
      %dma_wait3A_58 = arith.constant 0 : i32
      %dma_wait3A_59 = tpu.memref_slice %arg6[%add3A_57, %dma_wait3A_58] : memref<250x80xi32, #tpu.memory_space<vmem>> -> memref<1x80xi32, #tpu.memory_space<vmem>>
      %dma_wait3A_60 = tpu.memref_squeeze %dma_wait3A_59 : memref<1x80xi32, #tpu.memory_space<vmem>> -> memref<80xi32, #tpu.memory_space<vmem>>
      %dma_wait3A_61 = arith.constant 0 : i32
      %dma_wait3A_62 = arith.constant 0 : i32
      %dma_wait3A_63 = tpu.memref_slice %arg4[%dma_wait3A_61, %dma_wait3A_62] : memref<10240x128xf32, #tpu.memory_space<hbm>> -> memref<10240x128xf32, #tpu.memory_space<hbm>>
      tpu.wait_indirect_dma semaphore(%arg12 : memref<!tpu.dma_semaphore, #tpu.memory_space<semaphore_mem>>) src(%dma_wait3A_63 : memref<10240x128xf32, #tpu.memory_space<hbm>>) dst(%arg9 : memref<80x128xf32, #tpu.memory_space<vmem>>)
      %add3A_64 = arith.constant 1 : i32
      %add3A_65 = arith.addi %scan3A_40, %add3A_64 : i32
      %lt3A = arith.constant 125 : i32
      %lt3A_66 = arith.cmpi slt, %add3A_65, %lt3A : i32
      %convert_element_type3A_67 = arith.extui %lt3A_66 : i1 to i32
      %cond3A_68 = arith.constant 0 : i32
      %cond3A_69 = arith.cmpi ne, %convert_element_type3A_67, %cond3A_68 : i32
      scf.if %cond3A_69 {
        %add3A_72 = arith.constant 2 : i32
        %add3A_73 = arith.addi %mul3A_42, %add3A_72 : i32
        %dma_start3A_74 = arith.constant 0 : i32
        %dma_start3A_75 = tpu.memref_slice %arg6[%add3A_73, %dma_start3A_74] : memref<250x80xi32, #tpu.memory_space<vmem>> -> memref<1x80xi32, #tpu.memory_space<vmem>>
        %dma_start3A_76 = tpu.memref_squeeze %dma_start3A_75 : memref<1x80xi32, #tpu.memory_space<vmem>> -> memref<80xi32, #tpu.memory_space<vmem>>
        %dma_start3A_77 = arith.constant 0 : i32
        %dma_start3A_78 = arith.constant 0 : i32
        %dma_start3A_79 = tpu.memref_slice %arg4[%dma_start3A_77, %dma_start3A_78] : memref<10240x128xf32, #tpu.memory_space<hbm>> -> memref<10240x128xf32, #tpu.memory_space<hbm>>
        tpu.enqueue_indirect_dma source(%dma_start3A_79 : memref<10240x128xf32, #tpu.memory_space<hbm>>) target(%arg8 : memref<80x128xf32, #tpu.memory_space<vmem>>) offsets(%dma_start3A_76 : memref<80xi32, #tpu.memory_space<vmem>>) semaphore(%arg11 : memref<!tpu.dma_semaphore, #tpu.memory_space<semaphore_mem>>)
      } else {
      }
      %add3A_70 = arith.constant 1 : i32
      %add3A_71 = arith.addi %mul3A_42, %add3A_70 : i32
      "tpu.region"() ({
        %run_scoped3A = tpu.sem_alloc : memref<!tpu.dma_semaphore, #tpu.memory_space<semaphore_mem>>
        %dma_start3A_72 = arith.constant 0 : i32
        %dma_start3A_73 = tpu.memref_slice %arg7[%add3A_71, %dma_start3A_72] : memref<250x80xi32, #tpu.memory_space<vmem>> -> memref<1x80xi32, #tpu.memory_space<vmem>>
        %dma_start3A_74 = tpu.memref_squeeze %dma_start3A_73 : memref<1x80xi32, #tpu.memory_space<vmem>> -> memref<80xi32, #tpu.memory_space<vmem>>
        %dma_start3A_75 = arith.constant 0 : i32
        %dma_start3A_76 = arith.constant 0 : i32
        %dma_start3A_77 = tpu.memref_slice %arg10[%dma_start3A_75, %dma_start3A_76] : memref<5200x128xf32, #tpu.memory_space<vmem_shared>> -> memref<5200x128xf32, #tpu.memory_space<vmem_shared>>
        tpu.enqueue_indirect_dma source(%arg9 : memref<80x128xf32, #tpu.memory_space<vmem>>) target(%dma_start3A_77 : memref<5200x128xf32, #tpu.memory_space<vmem_shared>>) offsets(%dma_start3A_74 : memref<80xi32, #tpu.memory_space<vmem>>) semaphore(%run_scoped3A : memref<!tpu.dma_semaphore, #tpu.memory_space<semaphore_mem>>) {add = true}
        %dma_wait3A_78 = arith.constant 0 : i32
        %dma_wait3A_79 = tpu.memref_slice %arg7[%add3A_71, %dma_wait3A_78] : memref<250x80xi32, #tpu.memory_space<vmem>> -> memref<1x80xi32, #tpu.memory_space<vmem>>
        %dma_wait3A_80 = tpu.memref_squeeze %dma_wait3A_79 : memref<1x80xi32, #tpu.memory_space<vmem>> -> memref<80xi32, #tpu.memory_space<vmem>>
        %dma_wait3A_81 = arith.constant 0 : i32
        %dma_wait3A_82 = arith.constant 0 : i32
        %dma_wait3A_83 = tpu.memref_slice %arg10[%dma_wait3A_81, %dma_wait3A_82] : memref<5200x128xf32, #tpu.memory_space<vmem_shared>> -> memref<5200x128xf32, #tpu.memory_space<vmem_shared>>
        tpu.wait_indirect_dma semaphore(%run_scoped3A : memref<!tpu.dma_semaphore, #tpu.memory_space<semaphore_mem>>) src(%arg9 : memref<80x128xf32, #tpu.memory_space<vmem>>) dst(%dma_wait3A_83 : memref<5200x128xf32, #tpu.memory_space<vmem_shared>>)
        tpu.yield
      }) : () -> ()
    }
    %scan3A_35 = arith.constant 125 : i32
    %barrier3A_36 = arith.constant 0 : index
    tpu.barrier barrier_id(%barrier3A_36)
    %mul3A_37 = arith.constant 5120 : i32
    %mul3A_38 = arith.muli %arg0, %mul3A_37 : i32
    %add3A_39 = arith.addi %mul3A_38, %mul3A_0 : i32
    "tpu.region"() ({
      %run_scoped3A = tpu.sem_alloc : memref<!tpu.dma_semaphore, #tpu.memory_space<semaphore_mem>>
      %dma_start3A_40 = arith.constant 0 : i32
      %dma_start3A_41 = tpu.memref_slice %arg5[%add3A_39, %dma_start3A_40] : memref<10240x128xf32, #tpu.memory_space<hbm>> -> memref<320x128xf32, #tpu.memory_space<hbm>>
      %dma_start3A_42 = arith.constant 0 : i32
      %dma_start3A_43 = tpu.memref_slice %arg10[%mul3A_0, %dma_start3A_42] : memref<5200x128xf32, #tpu.memory_space<vmem_shared>> -> memref<320x128xf32, #tpu.memory_space<vmem_shared>>
      tpu.enqueue_dma source(%dma_start3A_43 : memref<320x128xf32, #tpu.memory_space<vmem_shared>>) target(%dma_start3A_41 : memref<320x128xf32, #tpu.memory_space<hbm>>) target_semaphore(%run_scoped3A : memref<!tpu.dma_semaphore, #tpu.memory_space<semaphore_mem>>)
      %dma_wait3A = arith.constant 0 : i32
      %dma_wait3A_44 = tpu.memref_slice %arg5[%add3A_39, %dma_wait3A] : memref<10240x128xf32, #tpu.memory_space<hbm>> -> memref<320x128xf32, #tpu.memory_space<hbm>>
      %dma_wait3A_45 = arith.constant 0 : i32
      %dma_wait3A_46 = tpu.memref_slice %arg10[%mul3A_0, %dma_wait3A_45] : memref<5200x128xf32, #tpu.memory_space<vmem_shared>> -> memref<320x128xf32, #tpu.memory_space<vmem_shared>>
      tpu.wait_dma2 semaphore(%run_scoped3A : memref<!tpu.dma_semaphore, #tpu.memory_space<semaphore_mem>>) src(%dma_wait3A_46 : memref<320x128xf32, #tpu.memory_space<vmem_shared>>) dst(%dma_wait3A_44 : memref<320x128xf32, #tpu.memory_space<hbm>>)
      tpu.yield
    }) : () -> ()
    return
  }
}

module attributes {stable_mosaic.version = 14 : i64} {
  func.func @_prep_body(%arg0: i32, %arg1: memref<2048x128xf32, #tpu.memory_space<vmem>>, %arg2: memref<128x128xf32, #tpu.memory_space<vmem>>, %arg3: memref<2048x1xf32, #tpu.memory_space<vmem>>, %arg4: memref<2048x1xf32, #tpu.memory_space<vmem>>, %arg5: memref<2048x128xf32, #tpu.memory_space<vmem>>) attributes {dimension_semantics = [#tpu.dimension_semantics<arbitrary>], iteration_bounds = array<i64: 5>, scalar_prefetch = 0 : i64, scratch_operands = 0 : i64, tpu.core_type = #tpu.core_type<tc>, window_params = [{transform_indices = @transform_0, window_bounds = array<i64: 2048, 128>}, {pipeline_mode = #tpu.pipeline_mode<synchronous>, transform_indices = @transform_1, window_bounds = array<i64: 128, 128>}, {transform_indices = @transform_2, window_bounds = array<i64: 2048, 1>}, {transform_indices = @transform_3, window_bounds = array<i64: 2048, 1>}, {transform_indices = @transform_4, window_bounds = array<i64: 2048, 128>}]} {
    %get3A = arith.constant 0 : index
    %get3A_0 = arith.constant 0 : index
    %get3A_1 = vector.load %arg3[%get3A, %get3A_0] : memref<2048x1xf32, #tpu.memory_space<vmem>>, vector<2048x1xf32>
    %add3A = arith.constant 1.000000e+00 : f32
    %add3A_2 = vector.broadcast %add3A : f32 to vector<2048x1xf32>
    %add3A_3 = arith.addf %add3A_2, %get3A_1 : vector<2048x1xf32>
    %get3A_4 = arith.constant 0 : index
    %get3A_5 = arith.constant 0 : index
    %get3A_6 = vector.load %arg4[%get3A_4, %get3A_5] : memref<2048x1xf32, #tpu.memory_space<vmem>>, vector<2048x1xf32>
    %add3A_7 = arith.addf %add3A_3, %get3A_6 : vector<2048x1xf32>
    %rsqrt3A = math.rsqrt %add3A_7 : vector<2048x1xf32>
    %get3A_8 = arith.constant 0 : index
    %get3A_9 = arith.constant 0 : index
    %get3A_10 = vector.load %arg1[%get3A_8, %get3A_9] : memref<2048x128xf32, #tpu.memory_space<vmem>>, vector<2048x128xf32>
    %get3A_11 = arith.constant 0 : index
    %get3A_12 = arith.constant 0 : index
    %get3A_13 = vector.load %arg2[%get3A_11, %get3A_12] : memref<128x128xf32, #tpu.memory_space<vmem>>, vector<128x128xf32>
    %dot_general3A = arith.constant dense<0.000000e+00> : vector<2048x128xf32>
    %dot_general3A_14 = tpu.matmul %get3A_10, %get3A_13, %dot_general3A {dimension_numbers = #tpu.dot_dimension_numbers<[1], [0], [0], [1], [0, 0, 1, 1], [], []>, transpose_lhs_hint = false} : vector<2048x128xf32>, vector<128x128xf32>, vector<2048x128xf32> -> vector<2048x128xf32>
    %mul3A = vector.broadcast %rsqrt3A : vector<2048x1xf32> to vector<2048x128xf32>
    %mul3A_15 = arith.mulf %dot_general3A_14, %mul3A : vector<2048x128xf32>
    %swap3A = arith.constant 0 : index
    %swap3A_16 = arith.constant 0 : index
    %swap3A_17 = vector.load %arg5[%swap3A, %swap3A_16] : memref<2048x128xf32, #tpu.memory_space<vmem>>, vector<2048x128xf32>
    tpu.vector_store %arg5[%swap3A, %swap3A_16], %mul3A_15 {strides = array<i32>} : memref<2048x128xf32, #tpu.memory_space<vmem>>, vector<2048x128xf32>,
    return
  }
  func.func @transform_0(%arg0: i32) -> (i32, i32) {
    %c0_i32 = arith.constant 0 : i32
    %c0_i32_0 = arith.constant 0 : i32
    return %arg0, %c0_i32 : i32, i32
  }
  func.func @transform_1(%arg0: i32) -> (i32, i32) {
    %c0_i32 = arith.constant 0 : i32
    %c0_i32_0 = arith.constant 0 : i32
    %c0_i32_1 = arith.constant 0 : i32
    return %c0_i32, %c0_i32_0 : i32, i32
  }
  func.func @transform_2(%arg0: i32) -> (i32, i32) {
    %c0_i32 = arith.constant 0 : i32
    %c0_i32_0 = arith.constant 0 : i32
    return %arg0, %c0_i32 : i32, i32
  }
  func.func @transform_3(%arg0: i32) -> (i32, i32) {
    %c0_i32 = arith.constant 0 : i32
    %c0_i32_0 = arith.constant 0 : i32
    return %arg0, %c0_i32 : i32, i32
  }
  func.func @transform_4(%arg0: i32) -> (i32, i32) {
    %c0_i32 = arith.constant 0 : i32
    %c0_i32_0 = arith.constant 0 : i32
    return %arg0, %c0_i32 : i32, i32
  }
}

module attributes {stable_mosaic.version = 14 : i64} {
  func.func @_mid_body(%arg0: i32, %arg1: memref<2048x128xf32, #tpu.memory_space<vmem>>, %arg2: memref<2048x128xf32, #tpu.memory_space<vmem>>, %arg3: memref<2048x1xf32, #tpu.memory_space<vmem>>, %arg4: memref<2048x1xf32, #tpu.memory_space<vmem>>, %arg5: memref<1x128xf32, #tpu.memory_space<vmem>>, %arg6: memref<128x128xf32, #tpu.memory_space<vmem>>, %arg7: memref<2048x128xf32, #tpu.memory_space<vmem>>) attributes {dimension_semantics = [#tpu.dimension_semantics<arbitrary>], iteration_bounds = array<i64: 5>, scalar_prefetch = 0 : i64, scratch_operands = 0 : i64, tpu.core_type = #tpu.core_type<tc>, window_params = [{transform_indices = @transform_0, window_bounds = array<i64: 2048, 128>}, {transform_indices = @transform_1, window_bounds = array<i64: 2048, 128>}, {transform_indices = @transform_2, window_bounds = array<i64: 2048, 1>}, {transform_indices = @transform_3, window_bounds = array<i64: 2048, 1>}, {pipeline_mode = #tpu.pipeline_mode<synchronous>, transform_indices = @transform_4, window_bounds = array<i64: 1, 128>}, {pipeline_mode = #tpu.pipeline_mode<synchronous>, transform_indices = @transform_5, window_bounds = array<i64: 128, 128>}, {transform_indices = @transform_6, window_bounds = array<i64: 2048, 128>}]} {
    %get3A = arith.constant 0 : index
    %get3A_0 = arith.constant 0 : index
    %get3A_1 = vector.load %arg3[%get3A, %get3A_0] : memref<2048x1xf32, #tpu.memory_space<vmem>>, vector<2048x1xf32>
    %add3A = arith.constant 1.000000e+00 : f32
    %add3A_2 = vector.broadcast %add3A : f32 to vector<2048x1xf32>
    %add3A_3 = arith.addf %add3A_2, %get3A_1 : vector<2048x1xf32>
    %get3A_4 = arith.constant 0 : index
    %get3A_5 = arith.constant 0 : index
    %get3A_6 = vector.load %arg4[%get3A_4, %get3A_5] : memref<2048x1xf32, #tpu.memory_space<vmem>>, vector<2048x1xf32>
    %add3A_7 = arith.addf %add3A_3, %get3A_6 : vector<2048x1xf32>
    %rsqrt3A = math.rsqrt %add3A_7 : vector<2048x1xf32>
    %get3A_8 = arith.constant 0 : index
    %get3A_9 = arith.constant 0 : index
    %get3A_10 = vector.load %arg1[%get3A_8, %get3A_9] : memref<2048x128xf32, #tpu.memory_space<vmem>>, vector<2048x128xf32>
    %get3A_11 = arith.constant 0 : index
    %get3A_12 = arith.constant 0 : index
    %get3A_13 = vector.load %arg2[%get3A_11, %get3A_12] : memref<2048x128xf32, #tpu.memory_space<vmem>>, vector<2048x128xf32>
    %add3A_14 = arith.addf %get3A_10, %get3A_13 : vector<2048x128xf32>
    %mul3A = vector.broadcast %rsqrt3A : vector<2048x1xf32> to vector<2048x128xf32>
    %mul3A_15 = arith.mulf %mul3A, %add3A_14 : vector<2048x128xf32>
    %get3A_16 = arith.constant 0 : index
    %get3A_17 = arith.constant 0 : index
    %get3A_18 = vector.load %arg5[%get3A_16, %get3A_17] : memref<1x128xf32, #tpu.memory_space<vmem>>, vector<1x128xf32>
    %add3A_19 = vector.broadcast %get3A_18 : vector<1x128xf32> to vector<2048x128xf32>
    %add3A_20 = arith.addf %mul3A_15, %add3A_19 : vector<2048x128xf32>
    %max3A = arith.constant 0.000000e+00 : f32
    %max3A_21 = vector.broadcast %max3A : f32 to vector<2048x128xf32>
    %max3A_22 = arith.maximumf %add3A_20, %max3A_21 : vector<2048x128xf32>
    %get3A_23 = arith.constant 0 : index
    %get3A_24 = arith.constant 0 : index
    %get3A_25 = vector.load %arg6[%get3A_23, %get3A_24] : memref<128x128xf32, #tpu.memory_space<vmem>>, vector<128x128xf32>
    %dot_general3A = arith.constant dense<0.000000e+00> : vector<2048x128xf32>
    %dot_general3A_26 = tpu.matmul %max3A_22, %get3A_25, %dot_general3A {dimension_numbers = #tpu.dot_dimension_numbers<[1], [0], [0], [1], [0, 0, 1, 1], [], []>, transpose_lhs_hint = false} : vector<2048x128xf32>, vector<128x128xf32>, vector<2048x128xf32> -> vector<2048x128xf32>
    %mul3A_27 = vector.broadcast %rsqrt3A : vector<2048x1xf32> to vector<2048x128xf32>
    %mul3A_28 = arith.mulf %dot_general3A_26, %mul3A_27 : vector<2048x128xf32>
    %swap3A = arith.constant 0 : index
    %swap3A_29 = arith.constant 0 : index
    %swap3A_30 = vector.load %arg7[%swap3A, %swap3A_29] : memref<2048x128xf32, #tpu.memory_space<vmem>>, vector<2048x128xf32>
    tpu.vector_store %arg7[%swap3A, %swap3A_29], %mul3A_28 {strides = array<i32>} : memref<2048x128xf32, #tpu.memory_space<vmem>>, vector<2048x128xf32>,
    return
  }
  func.func @transform_0(%arg0: i32) -> (i32, i32) {
    %c0_i32 = arith.constant 0 : i32
    %c0_i32_0 = arith.constant 0 : i32
    return %arg0, %c0_i32 : i32, i32
  }
  func.func @transform_1(%arg0: i32) -> (i32, i32) {
    %c0_i32 = arith.constant 0 : i32
    %c0_i32_0 = arith.constant 0 : i32
    return %arg0, %c0_i32 : i32, i32
  }
  func.func @transform_2(%arg0: i32) -> (i32, i32) {
    %c0_i32 = arith.constant 0 : i32
    %c0_i32_0 = arith.constant 0 : i32
    return %arg0, %c0_i32 : i32, i32
  }
  func.func @transform_3(%arg0: i32) -> (i32, i32) {
    %c0_i32 = arith.constant 0 : i32
    %c0_i32_0 = arith.constant 0 : i32
    return %arg0, %c0_i32 : i32, i32
  }
  func.func @transform_4(%arg0: i32) -> (i32, i32) {
    %c0_i32 = arith.constant 0 : i32
    %c0_i32_0 = arith.constant 0 : i32
    %c0_i32_1 = arith.constant 0 : i32
    return %c0_i32, %c0_i32_0 : i32, i32
  }
  func.func @transform_5(%arg0: i32) -> (i32, i32) {
    %c0_i32 = arith.constant 0 : i32
    %c0_i32_0 = arith.constant 0 : i32
    %c0_i32_1 = arith.constant 0 : i32
    return %c0_i32, %c0_i32_0 : i32, i32
  }
  func.func @transform_6(%arg0: i32) -> (i32, i32) {
    %c0_i32 = arith.constant 0 : i32
    %c0_i32_0 = arith.constant 0 : i32
    return %arg0, %c0_i32 : i32, i32
  }
}

module attributes {stable_mosaic.version = 14 : i64} {
  func.func @_fin_body(%arg0: i32, %arg1: memref<2048x128xf32, #tpu.memory_space<vmem>>, %arg2: memref<2048x128xf32, #tpu.memory_space<vmem>>, %arg3: memref<2048x1xf32, #tpu.memory_space<vmem>>, %arg4: memref<2048x1xf32, #tpu.memory_space<vmem>>, %arg5: memref<1x128xf32, #tpu.memory_space<vmem>>, %arg6: memref<1x2048xi32, #tpu.memory_space<vmem>>, %arg7: memref<128x2xf32, #tpu.memory_space<vmem>>, %arg8: memref<1x2xf32, #tpu.memory_space<vmem>>, %arg9: memref<16x2xf32, #tpu.memory_space<vmem>>, %arg10: memref<16x128xf32, #tpu.memory_space<vmem>>, %arg11: memref<16x1xf32, #tpu.memory_space<vmem>>) attributes {dimension_semantics = [#tpu.dimension_semantics<arbitrary>], iteration_bounds = array<i64: 5>, scalar_prefetch = 0 : i64, scratch_operands = 2 : i64, tpu.core_type = #tpu.core_type<tc>, window_params = [{transform_indices = @transform_0, window_bounds = array<i64: 2048, 128>}, {transform_indices = @transform_1, window_bounds = array<i64: 2048, 128>}, {transform_indices = @transform_2, window_bounds = array<i64: 2048, 1>}, {transform_indices = @transform_3, window_bounds = array<i64: 2048, 1>}, {pipeline_mode = #tpu.pipeline_mode<synchronous>, transform_indices = @transform_4, window_bounds = array<i64: 1, 128>}, {transform_indices = @transform_5, window_bounds = array<i64: 1, 2048>}, {pipeline_mode = #tpu.pipeline_mode<synchronous>, transform_indices = @transform_6, window_bounds = array<i64: 128, 2>}, {pipeline_mode = #tpu.pipeline_mode<synchronous>, transform_indices = @transform_7, window_bounds = array<i64: 1, 2>}, {pipeline_mode = #tpu.pipeline_mode<synchronous>, transform_indices = @transform_8, window_bounds = array<i64: 16, 2>}]} {
    %eq3A = arith.constant 0 : i32
    %eq3A_0 = arith.cmpi eq, %arg0, %eq3A : i32
    %convert_element_type3A = arith.extui %eq3A_0 : i1 to i32
    %cond3A = arith.constant 0 : i32
    %cond3A_1 = arith.cmpi ne, %convert_element_type3A, %cond3A : i32
    scf.if %cond3A_1 {
      %broadcast_in_dim3A_50 = arith.constant 0.000000e+00 : f32
      %broadcast_in_dim3A_51 = vector.broadcast %broadcast_in_dim3A_50 : f32 to vector<16x128xf32>
      %swap3A_52 = arith.constant 0 : index
      %swap3A_53 = arith.constant 0 : index
      %swap3A_54 = vector.load %arg10[%swap3A_52, %swap3A_53] : memref<16x128xf32, #tpu.memory_space<vmem>>, vector<16x128xf32>
      tpu.vector_store %arg10[%swap3A_52, %swap3A_53], %broadcast_in_dim3A_51 {strides = array<i32>} : memref<16x128xf32, #tpu.memory_space<vmem>>, vector<16x128xf32>,
      %broadcast_in_dim3A_55 = arith.constant 0.000000e+00 : f32
      %broadcast_in_dim3A_56 = vector.broadcast %broadcast_in_dim3A_55 : f32 to vector<16x1xf32>
      %swap3A_57 = arith.constant 0 : index
      %swap3A_58 = arith.constant 0 : index
      %swap3A_59 = vector.load %arg11[%swap3A_57, %swap3A_58] : memref<16x1xf32, #tpu.memory_space<vmem>>, vector<16x1xf32>
      tpu.vector_store %arg11[%swap3A_57, %swap3A_58], %broadcast_in_dim3A_56 {strides = array<i32>} : memref<16x1xf32, #tpu.memory_space<vmem>>, vector<16x1xf32>,
    } else {
    }
    %get3A = arith.constant 0 : index
    %get3A_2 = arith.constant 0 : index
    %get3A_3 = vector.load %arg3[%get3A, %get3A_2] : memref<2048x1xf32, #tpu.memory_space<vmem>>, vector<2048x1xf32>
    %add3A = arith.constant 1.000000e+00 : f32
    %add3A_4 = vector.broadcast %add3A : f32 to vector<2048x1xf32>
    %add3A_5 = arith.addf %add3A_4, %get3A_3 : vector<2048x1xf32>
    %get3A_6 = arith.constant 0 : index
    %get3A_7 = arith.constant 0 : index
    %get3A_8 = vector.load %arg4[%get3A_6, %get3A_7] : memref<2048x1xf32, #tpu.memory_space<vmem>>, vector<2048x1xf32>
    %add3A_9 = arith.addf %add3A_5, %get3A_8 : vector<2048x1xf32>
    %rsqrt3A = math.rsqrt %add3A_9 : vector<2048x1xf32>
    %get3A_10 = arith.constant 0 : index
    %get3A_11 = arith.constant 0 : index
    %get3A_12 = vector.load %arg1[%get3A_10, %get3A_11] : memref<2048x128xf32, #tpu.memory_space<vmem>>, vector<2048x128xf32>
    %get3A_13 = arith.constant 0 : index
    %get3A_14 = arith.constant 0 : index
    %get3A_15 = vector.load %arg2[%get3A_13, %get3A_14] : memref<2048x128xf32, #tpu.memory_space<vmem>>, vector<2048x128xf32>
    %add3A_16 = arith.addf %get3A_12, %get3A_15 : vector<2048x128xf32>
    %mul3A = vector.broadcast %rsqrt3A : vector<2048x1xf32> to vector<2048x128xf32>
    %mul3A_17 = arith.mulf %mul3A, %add3A_16 : vector<2048x128xf32>
    %get3A_18 = arith.constant 0 : index
    %get3A_19 = arith.constant 0 : index
    %get3A_20 = vector.load %arg5[%get3A_18, %get3A_19] : memref<1x128xf32, #tpu.memory_space<vmem>>, vector<1x128xf32>
    %add3A_21 = vector.broadcast %get3A_20 : vector<1x128xf32> to vector<2048x128xf32>
    %add3A_22 = arith.addf %mul3A_17, %add3A_21 : vector<2048x128xf32>
    %iota3A = tpu.iota {dimensions = array<i32: 0>} : vector<16x2048xi32>
    %get3A_23 = arith.constant 0 : index
    %get3A_24 = arith.constant 0 : index
    %get3A_25 = vector.load %arg6[%get3A_23, %get3A_24] : memref<1x2048xi32, #tpu.memory_space<vmem>>, vector<1x2048xi32>
    %eq3A_26 = vector.broadcast %get3A_25 : vector<1x2048xi32> to vector<16x2048xi32>
    %eq3A_27 = arith.cmpi eq, %iota3A, %eq3A_26 : vector<16x2048xi32>
    %convert_element_type3A_28 = arith.extui %eq3A_27 : vector<16x2048xi1> to vector<16x2048xi32>
    %convert_element_type3A_29 = arith.sitofp %convert_element_type3A_28 : vector<16x2048xi32> to vector<16x2048xf32>
    %get3A_30 = arith.constant 0 : index
    %get3A_31 = arith.constant 0 : index
    %get3A_32 = vector.load %arg10[%get3A_30, %get3A_31] : memref<16x128xf32, #tpu.memory_space<vmem>>, vector<16x128xf32>
    %dot_general3A = arith.constant dense<0.000000e+00> : vector<16x128xf32>
    %dot_general3A_33 = tpu.matmul %convert_element_type3A_29, %add3A_22, %dot_general3A {dimension_numbers = #tpu.dot_dimension_numbers<[1], [0], [0], [1], [0, 0, 1, 1], [], []>, transpose_lhs_hint = false} : vector<16x2048xf32>, vector<2048x128xf32>, vector<16x128xf32> -> vector<16x128xf32>
    %add3A_34 = arith.addf %get3A_32, %dot_general3A_33 : vector<16x128xf32>
    %swap3A = arith.constant 0 : index
    %swap3A_35 = arith.constant 0 : index
    %swap3A_36 = vector.load %arg10[%swap3A, %swap3A_35] : memref<16x128xf32, #tpu.memory_space<vmem>>, vector<16x128xf32>
    tpu.vector_store %arg10[%swap3A, %swap3A_35], %add3A_34 {strides = array<i32>} : memref<16x128xf32, #tpu.memory_space<vmem>>, vector<16x128xf32>,
    %get3A_37 = arith.constant 0 : index
    %get3A_38 = arith.constant 0 : index
    %get3A_39 = vector.load %arg11[%get3A_37, %get3A_38] : memref<16x1xf32, #tpu.memory_space<vmem>>, vector<16x1xf32>
    %reduce_sum3A = arith.constant dense<0.000000e+00> : vector<16xf32>
    %reduce_sum3A_40 = vector.multi_reduction <add>, %convert_element_type3A_29, %reduce_sum3A [1] : vector<16x2048xf32> to vector<16xf32>
    %broadcast_in_dim3A = vector.shape_cast %reduce_sum3A_40 : vector<16xf32> to vector<16x1xf32>
    %add3A_41 = arith.addf %get3A_39, %broadcast_in_dim3A : vector<16x1xf32>
    %swap3A_42 = arith.constant 0 : index
    %swap3A_43 = arith.constant 0 : index
    %swap3A_44 = vector.load %arg11[%swap3A_42, %swap3A_43] : memref<16x1xf32, #tpu.memory_space<vmem>>, vector<16x1xf32>
    tpu.vector_store %arg11[%swap3A_42, %swap3A_43], %add3A_41 {strides = array<i32>} : memref<16x1xf32, #tpu.memory_space<vmem>>, vector<16x1xf32>,
    %eq3A_45 = arith.constant 4 : i32
    %eq3A_46 = arith.cmpi eq, %arg0, %eq3A_45 : i32
    %convert_element_type3A_47 = arith.extui %eq3A_46 : i1 to i32
    %cond3A_48 = arith.constant 0 : i32
    %cond3A_49 = arith.cmpi ne, %convert_element_type3A_47, %cond3A_48 : i32
    scf.if %cond3A_49 {
      %get3A_50 = arith.constant 0 : index
      %get3A_51 = arith.constant 0 : index
      %get3A_52 = vector.load %arg10[%get3A_50, %get3A_51] : memref<16x128xf32, #tpu.memory_space<vmem>>, vector<16x128xf32>
      %get3A_53 = arith.constant 0 : index
      %get3A_54 = arith.constant 0 : index
      %get3A_55 = vector.load %arg11[%get3A_53, %get3A_54] : memref<16x1xf32, #tpu.memory_space<vmem>>, vector<16x1xf32>
      %max3A = arith.constant 1.000000e+00 : f32
      %max3A_56 = vector.broadcast %max3A : f32 to vector<16x1xf32>
      %max3A_57 = arith.maximumf %get3A_55, %max3A_56 : vector<16x1xf32>
      %div3A = vector.broadcast %max3A_57 : vector<16x1xf32> to vector<16x128xf32>
      %div3A_58 = arith.divf %get3A_52, %div3A : vector<16x128xf32>
      %get3A_59 = arith.constant 0 : index
      %get3A_60 = arith.constant 0 : index
      %get3A_61 = vector.load %arg7[%get3A_59, %get3A_60] : memref<128x2xf32, #tpu.memory_space<vmem>>, vector<128x2xf32>
      %dot_general3A_62 = arith.constant dense<0.000000e+00> : vector<16x2xf32>
      %dot_general3A_63 = tpu.matmul %div3A_58, %get3A_61, %dot_general3A_62 {dimension_numbers = #tpu.dot_dimension_numbers<[1], [0], [0], [1], [0, 0, 1, 1], [], []>, transpose_lhs_hint = false} : vector<16x128xf32>, vector<128x2xf32>, vector<16x2xf32> -> vector<16x2xf32>
      %get3A_64 = arith.constant 0 : index
      %get3A_65 = arith.constant 0 : index
      %get3A_66 = vector.load %arg8[%get3A_64, %get3A_65] : memref<1x2xf32, #tpu.memory_space<vmem>>, vector<1x2xf32>
      %add3A_67 = vector.broadcast %get3A_66 : vector<1x2xf32> to vector<16x2xf32>
      %add3A_68 = arith.addf %dot_general3A_63, %add3A_67 : vector<16x2xf32>
      %swap3A_69 = arith.constant 0 : index
      %swap3A_70 = arith.constant 0 : index
      %swap3A_71 = vector.load %arg9[%swap3A_69, %swap3A_70] : memref<16x2xf32, #tpu.memory_space<vmem>>, vector<16x2xf32>
      tpu.vector_store %arg9[%swap3A_69, %swap3A_70], %add3A_68 {strides = array<i32>} : memref<16x2xf32, #tpu.memory_space<vmem>>, vector<16x2xf32>,
    } else {
    }
    return
  }
  func.func @transform_0(%arg0: i32) -> (i32, i32) {
    %c0_i32 = arith.constant 0 : i32
    %c0_i32_0 = arith.constant 0 : i32
    return %arg0, %c0_i32 : i32, i32
  }
  func.func @transform_1(%arg0: i32) -> (i32, i32) {
    %c0_i32 = arith.constant 0 : i32
    %c0_i32_0 = arith.constant 0 : i32
    return %arg0, %c0_i32 : i32, i32
  }
  func.func @transform_2(%arg0: i32) -> (i32, i32) {
    %c0_i32 = arith.constant 0 : i32
    %c0_i32_0 = arith.constant 0 : i32
    return %arg0, %c0_i32 : i32, i32
  }
  func.func @transform_3(%arg0: i32) -> (i32, i32) {
    %c0_i32 = arith.constant 0 : i32
    %c0_i32_0 = arith.constant 0 : i32
    return %arg0, %c0_i32 : i32, i32
  }
  func.func @transform_4(%arg0: i32) -> (i32, i32) {
    %c0_i32 = arith.constant 0 : i32
    %c0_i32_0 = arith.constant 0 : i32
    %c0_i32_1 = arith.constant 0 : i32
    return %c0_i32, %c0_i32_0 : i32, i32
  }
  func.func @transform_5(%arg0: i32) -> (i32, i32) {
    %c0_i32 = arith.constant 0 : i32
    %c0_i32_0 = arith.constant 0 : i32
    return %c0_i32, %arg0 : i32, i32
  }
  func.func @transform_6(%arg0: i32) -> (i32, i32) {
    %c0_i32 = arith.constant 0 : i32
    %c0_i32_0 = arith.constant 0 : i32
    %c0_i32_1 = arith.constant 0 : i32
    return %c0_i32, %c0_i32_0 : i32, i32
  }
  func.func @transform_7(%arg0: i32) -> (i32, i32) {
    %c0_i32 = arith.constant 0 : i32
    %c0_i32_0 = arith.constant 0 : i32
    %c0_i32_1 = arith.constant 0 : i32
    return %c0_i32, %c0_i32_0 : i32, i32
  }
  func.func @transform_8(%arg0: i32) -> (i32, i32) {
    %c0_i32 = arith.constant 0 : i32
    %c0_i32_0 = arith.constant 0 : i32
    %c0_i32_1 = arith.constant 0 : i32
    return %c0_i32, %c0_i32_0 : i32, i32
  }
}

</mosaic_0001>

<sc_bundles>
// kernel: kernel.11.cloned.1.call-start
scs
__scs_entry_jumppad:
0x0: {  	(pc) =	sbr.rel $0x88, $3  }
0x1: {  	(tag) =	ssettag $0x0;
	lr =	simm.s32 $0x1  }
0x2: {  	[smem:$0x3F98] =	sst lr;
	_ =	strace $0xD0000000  }
0x3: {  	_ = 	snop  }
0x4: {  	_ = 	snop  }
0x5: {  	_ = 	snop  }
0x6: {  	_ = 	snop  }
0x7: {  	_ = 	snop  }
__scs_overlays_trampoline_lowered:
0x8: {  	[smem:$0x3FA7] =	sst s0  }
0x9: {  	[smem:$0x3FA8] =	sst s1  }
0xa: {  	[smem:$0x3FA9] =	sst s2  }
0xb: {  	[smem:$0x3FAA] =	sst s3  }
0xc: {  	[smem:$0x3FAB] =	sst s4  }
0xd: {  	[smem:$0x3FAC] =	sst s5  }
0xe: {  	[smem:$0x3FAD] =	sst s6  }
0xf: {  	[smem:$0x3FAE] =	sst s7  }
0x10: {  	[smem:$0x3FAF] =	sst s8  }
0x11: {  	[smem:$0x3FB0] =	sst s9;
	s0 =	simm.s32 @!p0 $0x0  }
0x12: {  	s1 =	sld [smem:$0x3F96];
	s0 =	simm.s32 @p0 $0x1  }
0x13: {  	[smem:$0x3FB1] =	sst s0;
	s0 =	simm.s32 @!p1 $0x0  }
0x14: {  	s2 =	sld [smem:$0x3F95];
	s0 =	simm.s32 @p1 $0x1  }
0x15: {  	[smem:$0x3FB2] =	sst s0;
	s0 =	simm.s32 @!p2 $0x0  }
0x16: {  	s3 =	sld [smem:$0x3FDB];
	s0 =	simm.s32 @p2 $0x1  }
0x17: {  	s4 =	simm.s32 $0x1BF5;
	[smem:$0x3FB4] =	sst s0  }
0x18: {  	s0 =	sld [smem:$0x3F97];
	_ =	swait.ge [sflag:s4], $0x0  }
0x19: {  	s7 =	sld [smem:$0x3F98]  }
0x1a: {  	s8 =	sadd.s32 $0xFFFFE003, lr  }
0x1b: {  	s9 =	sadd.s32 $0xFFFFFEF7, lr;
	s5 =	simm.s32 $0xFFFFFFFF;
	p2 =	slt.u32 s8, $0xFFFFF086  }
0x1c: {  	p1 =	slt.u32 s9, $0xF7A;
	s5 =	simm.s32 @!p2 $0x0  }
0x1d: {  	s5 =	simm.s32 @p1 $0x1;
	p0 =	seq.s32 s7, s2  }
0x1e: {  	s7 =	smul.u32 @!p0 $0xF7A, s2;
	p2 =	seq.s32 @!p0 s5, $0x0  }
0x1f: {  	s9 =	smul.u32 $0xF7A, s1;
	s8 =	simm.s32 @!p0 $0x1BF5;
	p2 =	por !p2, p0  }
0x20: {  	[sflag:s8] =	ssyncset.s32 @!p0 $0xFFFFF086;
	s6 =	sadd.s32 @!p0 s3, s7;
	s7 =	simm.s32 @!p0 $0x108  }
0x21: {  	s3 =	sadd.s32 s3, s9;
	s6 =	sadd.s32 @!p0 $0x88, s6;
	s7 =	simm.s32 @p2 $0x1082  }
0x22: {  	[simem:s7], [sflag:s8] =	dma.local @!p0 [hbm:s6], $0xF7A  }
0x23: {  	s9 =	sor.u32 $0xD0000000, s2;
	s6 =	simm.s32 $0x108;
	_ =	swait.ge @!p0 [sflag:s8], $0x0  }
0x24: {  	s3 =	sadd.s32 $0x88, s3;
	s6 =	simm.s32 @!p1 $0x1082;
	[sflag:s4] =	ssyncset.s32 $0xFFFFF086  }
0x25: {  	[simem:s6], [sflag:s4] =	dma.local [hbm:s3], $0xF7A  }
0x26: {  	[smem:$0x3F98] =	sst s1;
	(tag) =	ssettag s2;
	_ =	strace s9  }
0x27: {  	s1 =	sld [smem:$0x3FA8]  }
0x28: {  	s2 =	sld [smem:$0x3FA9]  }
0x29: {  	s4 =	sld [smem:$0x3FAB]  }
0x2a: {  	p0 =	seq.s32 s5, $0x0;
	s5 =	sld [smem:$0x3FAC]  }
0x2b: {  	s6 =	sld [smem:$0x3FAD]  }
0x2c: {  	s7 =	sld [smem:$0x3FAE]  }
0x2d: {  	s3 =	simm.s32 $0x108;
	s8 =	sld [smem:$0x3FAF]  }
0x2e: {  	s3 =	simm.s32 @!p0 $0x1082;
	s9 =	sld [smem:$0x3FB0]  }
0x2f: {  	lr =	sadd.s32 s0, s3;
	s0 =	sld [smem:$0x3FA7]  }
0x30: {  	s3 =	sld [smem:$0x3FAA]  }
0x31: {  	[smem:$0x3FB3] =	sst s10  }
0x32: {  	s10 =	sld [smem:$0x3FB1];
	_ =	sdelay $0x3  }
0x33: {  	p0 =	seq.s32 s10, $0x1;
	s10 =	sld [smem:$0x3FB3];
	_ =	sdelay $0x3  }
0x34: {  	[smem:$0x3FB3] =	sst s10  }
0x35: {  	s10 =	sld [smem:$0x3FB2];
	_ =	sdelay $0x3  }
0x36: {  	p1 =	seq.s32 s10, $0x1;
	s10 =	sld [smem:$0x3FB3];
	_ =	sdelay $0x3  }
0x37: {  	[smem:$0x3FB3] =	sst s10  }
0x38: {  	s10 =	sld [smem:$0x3FB4]  }
0x39: {  	_ = 	snop;
	(pc) =	sbr.ind lr, $3  }
0x3a: {  	_ = 	snop  }
0x3b: {  	_ = 	snop  }
0x3c: {  	p2 =	seq.s32 s10, $0x1;
	s10 =	sld [smem:$0x3FB3]  }
0x3d: {  	_ =	shalt  }
0x3e: {  	_ =	shalt  }
0x3f: {  	_ =	shalt  }
0x40: {  	_ =	shalt  }
0x41: {  	_ =	shalt  }
0x42: {  	_ =	shalt  }
0x43: {  	_ =	shalt  }
0x44: {  	_ =	shalt  }
0x45: {  	_ =	shalt  }
0x46: {  	_ =	shalt  }
0x47: {  	_ =	shalt  }
0x48: {  	_ =	shalt  }
0x49: {  	_ =	shalt  }
0x4a: {  	_ =	shalt  }
0x4b: {  	_ =	shalt  }
0x4c: {  	_ =	shalt  }
0x4d: {  	_ =	shalt  }
0x4e: {  	_ =	shalt  }
0x4f: {  	_ =	shalt  }
0x50: {  	_ =	shalt  }
0x51: {  	_ =	shalt  }
0x52: {  	_ =	shalt  }
0x53: {  	_ =	shalt  }
0x54: {  	_ =	shalt  }
0x55: {  	_ =	shalt  }
0x56: {  	_ =	shalt  }
0x57: {  	_ =	shalt  }
0x58: {  	_ =	shalt  }
0x59: {  	_ =	shalt  }
0x5a: {  	_ =	shalt  }
0x5b: {  	_ =	shalt  }
0x5c: {  	_ =	shalt  }
0x5d: {  	_ =	shalt  }
0x5e: {  	_ =	shalt  }
0x5f: {  	_ =	shalt  }
0x60: {  	_ =	shalt  }
0x61: {  	_ =	shalt  }
0x62: {  	_ =	shalt  }
0x63: {  	_ =	shalt  }
0x64: {  	_ =	shalt  }
0x65: {  	_ =	shalt  }
0x66: {  	_ =	shalt  }
0x67: {  	_ =	shalt  }
0x68: {  	_ =	shalt  }
0x69: {  	_ =	shalt  }
0x6a: {  	_ =	shalt  }
0x6b: {  	_ =	shalt  }
0x6c: {  	_ =	shalt  }
0x6d: {  	_ =	shalt  }
0x6e: {  	_ =	shalt  }
0x6f: {  	_ =	shalt  }
0x70: {  	_ =	shalt  }
0x71: {  	_ =	shalt  }
0x72: {  	_ =	shalt  }
0x73: {  	_ =	shalt  }
0x74: {  	_ =	shalt  }
0x75: {  	_ =	shalt  }
0x76: {  	_ =	shalt  }
0x77: {  	_ =	shalt  }
0x78: {  	_ =	shalt  }
0x79: {  	_ =	shalt  }
0x7a: {  	_ =	shalt  }
0x7b: {  	_ =	shalt  }
0x7c: {  	_ =	shalt  }
0x7d: {  	_ =	shalt  }
0x7e: {  	_ =	shalt  }
0x7f: {  	_ =	shalt  }
0x80: {  	_ =	shalt  }
0x81: {  	_ =	shalt  }
0x82: {  	_ =	shalt  }
0x83: {  	_ =	shalt  }
0x84: {  	_ =	shalt  }
0x85: {  	_ =	shalt  }
0x86: {  	_ =	shalt  }
0x87: {  	_ =	shalt  }
.Lfunc_end0:
.L_simem_size_0:
called_computation.1_lowered:
.L_overlay_start_0:
0x88: {  	s2 =	sld [smem:$0x3FD9]  }
0x89: {  	s3 =	sld [smem:$0x3FFE];
	_ =	sdelay $0x1  }
0x8a: {  	s1 =	srdreg.scid  }
0x8b: {  	s0 =	sand.u32 $0x1, s1  }
0x8c: {  	s16 =	sshll.u32 s0, $0xA;
	s2 =	sadd.s32 s3, s2  }
0x8d: {  	s2 =	sadd.s32 s2, s16  }
0x8e: {  	[smem:$0x3FBF] =	sst s2  }
0x8f: {  	_ = 	snop  }
0x90: {  	(tm) =	ssettm $0x1  }
0x91: {  	s17 =	sld [smem:$0x3FFB];
	_ =	sdelay $0x3  }
0x92: {  	_ =	strace s17  }
0x93: {  	s2 =	sld [smem:$0x3FFC];
	_ =	sdelay $0x3  }
0x94: {  	_ =	strace s2  }
0x95: {  	s2 =	sld [smem:$0x3FFD];
	_ =	sdelay $0x3  }
0x96: {  	_ =	strace s2  }
0x97: {  	_ =	strace $0x8FFFFFFF  }
0x98: {  	s18 =	sld [smem:$0x3FDB];
	_ =	sdelay $0x1  }
0x99: {  	s19 =	simm.s32 $_scs_section_size  }
0x9a: {  	s4 =	simm.s32 $_size__tile_overlayer_lowered;
	s5 =	simm.s32 $_tile_overlayer_lowered  }
0x9b: {  	s22 =	simm.s32 $0x1BFF;
	s21 =	sshll.u32 s5, $0x1;
	s2 =	sadd.s32 s19, s18  }
0x9c: {  	s6 =	simm.s32 $0x0;
	s20 =	sshll.u32 s4, $0x1;
	s4 =	sadd.s32 s21, s2  }
0x9d: {  	[timem:s6], [sflag:s22] =	dma.local [hbm:s4], s20  }
0x9e: {  	_ =	swait.ge [sflag:s22], s20  }
0x9f: {  	s3 =	ssub.s32 $0x0, s20;
	[sflag:s22] =	ssyncset.done $0x0  }
0xa0: {  	[sflag:s22] =	ssyncadd.s32 s3;
	_ =	sdelay $0x1  }
0xa1: {  	s23 =	simm.s32 $0x1B8B  }
0xa2: {  	_ =	swait.ge [sflag:s23], $0x1  }
0xa3: {  	[sflag:s23] =	ssyncset.done $0x0  }
0xa4: {  	s25 =	simm.s32 $0x1B8E;
	s24 =	sld [smem:$0x3FFE];
	[sflag:s23] =	ssyncadd.s32 $0xFFFFFFFF  }
0xa5: {  	s26 =	simm.s32 $execute0_lowered;
	[smem:$0x3FD2] =	sst s25  }
0xa6: {  	s4 =	sshll.u32 s26, $0x1;
	_ =	strace $0x80000049;
	[dreg:$0x1] =	wrdreg $0xFFFFFFFF  }
0xa7: {  	s28 =	simm.s32 $_size_execute0_lowered;
	s2 =	sadd.s32 s2, s4;
	[dreg:$0x0] =	wrdreg $0x0  }
0xa8: {  	s4 =	sshll.u32 s28, $0x1;
	[dreg:$0x2] =	wrdreg s2  }
0xa9: {  	[dreg:$0x3] =	wrdreg s4  }
0xaa: {  	[dreg:$0x4] =	wrdreg $0xC0  }
0xab: {  	_ =	task [dreg:s6], $0x5FFFF  }
0xac: {  	[dreg:$0x1] =	wrdreg $0xFFFFFFFF  }
0xad: {  	[dreg:$0x0] =	wrdreg $0x60  }
0xae: {  	[dreg:$0x2] =	wrdreg s24  }
0xaf: {  	[dreg:$0x3] =	wrdreg $0x150000  }
0xb0: {  	[dreg:$0x4] =	wrdreg $0x9  }
0xb1: {  	_ =	task.clear_ibuf [dreg:s6], $0x5FFFF;
	_ =	strace $0x90000049  }
0xb2: {  	s29 =	simm.s32 $0x9;
	_ =	strace $0x8000004B  }
0xb3: {  	_ =	swait.ge [sflag:s29], $0x1  }
0xb4: {  	[sflag:s29] =	ssyncadd.s32 $0xFFFFFFFF  }
0xb5: {  	_ =	strace $0x9000004B  }
0xb6: {  	_ =	sfence  }
0xb7: {  	s30 =	sld [smem:$0x0];
	_ =	sdelay $0x2  }
0xb8: {  	s31 =	sshll.u32 s1, $0xD;
	s1 =	sshrl.u32 s1, $0x2  }
0xb9: {  	s3 =	sand.u32 $0x4000, s31;
	s1 =	sadd.s32 s1, s30  }
0xba: {  	s0 =	sor.u32 s3, s0;
	s1 =	sshll.u32 s1, $0x11  }
0xbb: {  	s0 =	sor.u32 s1, s0  }
0xbc: {  	s0 =	sadd.s32 $0x8F2B, s0  }
0xbd: {  	[sflag:s0] =	ssyncadd.remote.s32 $0x1  }
0xbe: {  	_ =	sfence.sel $0xFFFF  }
0xbf: {  	[dreg:$0x0] =	wrdreg $0xFFFFFFFF;
	(pc) =	sbr.abs _section_cstart, $3  }
0xc0: {  	[dreg:$0x1] =	wrdreg $0xFFFFFFFF  }
0xc1: {  	_ =	task.clear_ibuf [dreg:s6], $0x2FFFF;
	_ =	strace $0x9FFFFFFF  }
0xc2: {  	(tm) =	ssettm $0x7FFFFFFF  }
0xc3: {  	_ =	shalt  }
tec
execute0_lowered:
.L_overlay_start_1:
0x0: {  	(tag) =	ssettag $0x1  }
0x1: {  	s5 =	rddreg [dreg:$0x0]  }
0x2: {  	s1 =	rddreg [dreg:$0x1]  }
0x3: {  	s0 =	rddreg [dreg:$0x2];
	s2 =	stileid.u32  }
0x4: {  	s4 =	srdreg.scid;
	s3 =	simm.s32 $0x0;
	s14 =	simm.s32 $0x10000  }
0x5: {  	s15 =	simm.s32 $0x3;
	s16 =	simm.s32 $0x8000;
	s17 =	simm.s32 $0x50  }
0x6: {  	s18 =	simm.s32 $0x1;
	s19 =	simm.s32 $0x12800;
	s20 =	simm.s32 $0x2  }
0x7: {  	s21 =	simm.s32 $0x7C80;
	s23 =	simm.s32 $0xFC80;
	s24 =	simm.s32 $0x0  }
0x8: {  	s6 =	sand.u32 $0x1, s4;
	s7 =	smul.u32 $0x140, s2;
	[smem:$0x7FF] =	sst s3  }
0x9: {  	s30 =	sshll.u32 s2, $0xC;
	s8 =	smul.u32 $0x28000, s2;
	s4 =	sadd.s32 $0x5BC00, s5  }
0xa: {  	s9 =	sadd.s32 $0xA0000, s1;
	p0 =	sne.s32 s2, $0x0;
	s22 =	smul.u32 $0x1400, s6  }
0xb: {  	_ =	strace $0x8000004A;
	s11 =	sadd.s32 s30, s5;
	s6 =	ssub.s32 $0x2, s6  }
0xc: {  	s8 =	sshrl.u32 s8, $0x2;
	s31 =	sshrl.u32 s6, $0x1;
	s7 =	sadd.s32 s7, s22  }
0xd: {  	s10 =	sadd.s32 $0x23C00, s11;
	s11 =	sadd.s32 $0x13C00, s11;
	s7 =	sshll.u32 s7, $0x4  }
0xe: {  	s13 =	ssub.s32 s6, s31;
	s12 =	sadd.s32 s7, s5;
	s5 =	sadd.s32 s8, s1  }
0xf: {  	v0 =	vmov s22;
	s22 =	simm.s32 $0xFC00;
	s13 =	smax.u32 s13, $0x1;
	s6 =	sadd.s32 $0x2800, s5  }
0x10: {  	v1 =	vimm.f32 $0.0e+00;
	s7 =	sadd.s32 $0x5000, s5;
	s8 =	sadd.s32 $0x7800, s5;
	s12 =	sadd.s32 $0x83C00, s12  }
.LBB2_1:
0x11: {  	s25 =	sand.u32 $0xFE00, s3  }
0x12: {  	s26 =	sand.u32 $0x70, s3;
	s28 =	sshrl.u32 s25, $0x2  }
0x13: {  	s25 =	simm.s32 $0x40;
	s28 =	sor.u32 s26, s28;
	s26 =	simm.s32 $0x0  }
.LBB2_2:
0x14: {  	p1 =	sne.s32 s25, $0x9FC0  }
0x15: {  	[tilespmem:s28+$0x10000] =	vst v1;
	s26 =	sadd.s32 $0x10, s26;
	s28 =	smov.u32 s25;
	s25 =	sadd.s32 $0x40, s25  }
.Ltmp0:
0x16: {  	(pc) =	sbr.rel @p1 .LBB2_2-.Ltmp0, $4  }
0x17: {  	_ = 	snop  }
0x18: {  	s28 =	sand.u32 $0xFE00, s28  }
0x19: {  	s29 =	sand.u32 $0x70, s26;
	s28 =	sshrl.u32 s28, $0x2  }
0x1a: {  	s28 =	sor.u32 s29, s28  }
0x1b: {  	[tilespmem:s28+$0x10000] =	vst v1  }
0x1c: {  	[spmem:s5] =	stream.linear.scatter [tilespmem:s14], [sflag:$0x3], $0x2800, $0x38;
	[tilespmem:$0x1F280] =	vst v63  }
0x1d: {  	_ =	swait.ge [sflag:s15], $0x2800  }
0x1e: {  	[sflag:s15] =	ssyncset.done $0x0  }
0x1f: {  	[sflag:s15] =	ssyncadd.s32 $0xFFFFD800  }
0x20: {  	[spmem:s6] =	stream.linear.scatter [tilespmem:s14], [sflag:$0x3], $0x2800, $0x38;
	[tilespmem:$0x1F280] =	vst v63  }
0x21: {  	_ =	swait.ge [sflag:s15], $0x2800  }
0x22: {  	[sflag:s15] =	ssyncset.done $0x0  }
0x23: {  	[sflag:s15] =	ssyncadd.s32 $0xFFFFD800  }
0x24: {  	[spmem:s7] =	stream.linear.scatter [tilespmem:s14], [sflag:$0x3], $0x2800, $0x38;
	[tilespmem:$0x1F280] =	vst v63  }
0x25: {  	_ =	swait.ge [sflag:s15], $0x2800  }
0x26: {  	[sflag:s15] =	ssyncset.done $0x0  }
0x27: {  	[sflag:s15] =	ssyncadd.s32 $0xFFFFD800  }
0x28: {  	[spmem:s8] =	stream.linear.scatter [tilespmem:s14], [sflag:$0x3], $0x2800, $0x38;
	[tilespmem:$0x1F280] =	vst v63  }
0x29: {  	_ =	swait.ge [sflag:s15], $0x2800  }
0x2a: {  	[sflag:s15] =	ssyncset.done $0x0  }
0x2b: {  	s25 =	simm.s32 @!p0 $0x10000;
	[sflag:s15] =	ssyncadd.s32 $0xFFFFD800  }
0x2c: {  	[spmem:s9] =	stream.linear.scatter @!p0 [tilespmem:s25], [sflag:$0x3], $0x2800, $0x38;
	[tilespmem:$0x1F280] =	vst v63  }
0x2d: {  	s25 =	simm.s32 @!p0 $0x3  }
0x2e: {  	_ =	swait.ge @!p0 [sflag:s25], $0x2800  }
0x2f: {  	[sflag:s25] =	ssyncset.done @!p0 $0x0  }
0x30: {  	s31 =	simm.s32 $0x0;
	[sflag:s25] =	ssyncadd.s32 @!p0 $0xFFFFD800  }
0x31: {  	[tilespmem:s31], [sflag:$0x3] =	stream.linear.gather [hbm4b:s10+s31], $0x7D00, $0x38;
	[tilespmem:$0x1F280] =	vst v63  }
0x32: {  	_ =	swait.ge [sflag:s15], $0x7D00  }
0x33: {  	[sflag:s15] =	ssyncset.done $0x0  }
0x34: {  	[sflag:s15] =	ssyncadd.s32 $0xFFFF8300  }
0x35: {  	[tilespmem:s16], [sflag:$0x3] =	stream.linear.gather [hbm4b:s11+s31], $0x7D00, $0x38;
	[tilespmem:$0x1F280] =	vst v63  }
0x36: {  	_ =	swait.ge [sflag:s15], $0x7D00  }
0x37: {  	[sflag:s15] =	ssyncset.done $0x0  }
0x38: {  	s25 =	simm.s32 $0x0;
	[sflag:s15] =	ssyncadd.s32 $0xFFFF8300  }
0x39: {  	v4 =	vld [tilespmem:s25+$0x8000]  }
0x3a: {  	v5 =	vld [tilespmem:s25+$0x8010]  }
0x3b: {  	v3 =	vld [tilespmem:s25+$0x8020]  }
0x3c: {  	s26 =	simm.s32 $0x200;
	v2 =	vld [tilespmem:s25+$0x8030]  }
.LBB2_4:
0x3d: {  	p1 =	sne.s32 s26, $0x1F200;
	v6 =	vld [tilespmem:s25+$0x8040]  }
0x3e: {  	v4 =	vsub.s32 v4, v0  }
0x3f: {  	v4 =	vmin.u32 v4, $0x1400;
	v5 =	vsub.s32 v5, v0  }
.Ltmp1:
0x40: {  	s28 =	sshra.s32 s26, $0x2;
	[tilespmem:s25+$0x8000] =	vst v4;
	v5 =	vmin.u32 v5, $0x1400;
	v3 =	vsub.s32 v3, v0;
	(pc) =	sbr.rel @p1 .LBB2_4-.Ltmp1, $4  }
0x41: {  	v4 =	vld [tilespmem:s28+$0x8000];
	[tilespmem:s25+$0x8010] =	vst v5;
	v3 =	vmin.u32 v3, $0x1400;
	v2 =	vsub.s32 v2, v0  }
0x42: {  	v5 =	vld [tilespmem:s28+$0x8010];
	[tilespmem:s25+$0x8020] =	vst v3;
	v2 =	vmin.u32 v2, $0x1400;
	v6 =	vsub.s32 v6, v0  }
0x43: {  	v3 =	vld [tilespmem:s28+$0x8020];
	[tilespmem:s25+$0x8030] =	vst v2;
	v6 =	vmin.u32 v6, $0x1400  }
0x44: {  	s26 =	sadd.s32 $0x200, s26;
	v2 =	vld [tilespmem:s28+$0x8030];
	[tilespmem:s25+$0x8040] =	vst v6;
	s25 =	smov.u32 s28  }
0x45: {  	v6 =	vld [tilespmem:s25+$0x8040]  }
0x46: {  	v4 =	vsub.s32 v4, v0  }
0x47: {  	v4 =	vmin.u32 v4, $0x1400;
	v5 =	vsub.s32 v5, v0  }
0x48: {  	[tilespmem:s25+$0x8000] =	vst v4;
	v63 =	vmin.u32 v5, $0x1400;
	v3 =	vsub.s32 v3, v0  }
0x49: {  	[tilespmem:s25+$0x8010] =	vst v63;
	v3 =	vmin.u32 v3, $0x1400;
	v2 =	vsub.s32 v2, v0  }
0x4a: {  	[tilespmem:s25+$0x8020] =	vst v3;
	v2 =	vmin.u32 v2, $0x1400;
	v3 =	vsub.s32 v6, v0  }
0x4b: {  	[tilespmem:s25+$0x8030] =	vst v2;
	v2 =	vmin.u32 v3, $0x1400  }
0x4c: {  	[tilespmem:s25+$0x8040] =	vst v2  }
0x4d: {  	s26 =	simm.s32 $0x0;
	[bflag:$0x0] =	sbarrier.arrive $0xFFFF  }
0x4e: {  	[tilespmem:s14], [sflag:$0x1] =	stream.indirect.gather [hbm4b:s4+s17], $0x80, s26, s17, $0xb8;
	[tilespmem:$0x1F280] =	vst v63  }
0x4f: {  	_ =	swait.ge [sflag:s18], $0x2800  }
0x50: {  	[sflag:s18] =	ssyncset.done $0x0  }
0x51: {  	s28 =	simm.s32 $0x80;
	[sflag:s18] =	ssyncadd.s32 $0xFFFFD800  }
0x52: {  	[tilespmem:s19], [sflag:$0x2] =	stream.indirect.gather [hbm4b:s4+s17], $0x80, s28, s17, $0xb8;
	[tilespmem:$0x1F280] =	vst v63  }
0x53: {  	s29 =	simm.s32 $0x8000  }
0x54: {  	[spmem:s1] =	stream.indirect.scatter.add.f32 [tilespmem:s14], [sflag:$0x3], $0x80, s29, s17, $0xb8;
	[tilespmem:$0x1F280] =	vst v63  }
0x55: {  	_ =	swait.ge [sflag:s15], $0x2800  }
0x56: {  	[sflag:s15] =	ssyncset.done $0x0  }
0x57: {  	[sflag:s15] =	ssyncadd.s32 $0xFFFFD800  }
0x58: {  	_ =	swait.ge [sflag:s20], $0x2800  }
0x59: {  	[sflag:s20] =	ssyncset.done $0x0  }
0x5a: {  	s30 =	simm.s32 $0x100;
	[sflag:s20] =	ssyncadd.s32 $0xFFFFD800  }
0x5b: {  	[tilespmem:s14], [sflag:$0x1] =	stream.indirect.gather [hbm4b:s4+s17], $0x80, s30, s17, $0xb8;
	[tilespmem:$0x1F280] =	vst v63  }
0x5c: {  	s31 =	simm.s32 $0x8080  }
0x5d: {  	[spmem:s1] =	stream.indirect.scatter.add.f32 [tilespmem:s19], [sflag:$0x3], $0x80, s31, s17, $0xb8;
	[tilespmem:$0x1F280] =	vst v63  }
0x5e: {  	_ =	swait.ge [sflag:s15], $0x2800  }
0x5f: {  	s25 =	simm.s32 $0x400;
	[sflag:s15] =	ssyncset.done $0x0  }
.LBB2_6:
0x60: {  	p1 =	sne.s32 s25, $0x1EC00  }
0x61: {  	[sflag:s15] =	ssyncadd.s32 $0xFFFFD800;
	s26 =	smov.u32 s25;
	s25 =	sadd.s32 $0x400, s25  }
0x62: {  	_ = 	snop  }
0x63: {  	_ =	swait.ge [sflag:s18], $0x2800  }
0x64: {  	s26 =	sshra.s32 s26, $0x2;
	[sflag:s18] =	ssyncset.done $0x0  }
0x65: {  	s28 =	sadd.s32 $0x80, s26;
	[sflag:s18] =	ssyncadd.s32 $0xFFFFD800  }
0x66: {  	[tilespmem:s19], [sflag:$0x2] =	stream.indirect.gather [hbm4b:s4+s17], $0x80, s28, s17, $0xb8;
	[tilespmem:$0x1F280] =	vst v63  }
0x67: {  	s28 =	sadd.s32 $0x8000, s26  }
0x68: {  	[spmem:s1] =	stream.indirect.scatter.add.f32 [tilespmem:s14], [sflag:$0x3], $0x80, s28, s17, $0xb8;
	[tilespmem:$0x1F280] =	vst v63  }
0x69: {  	_ =	swait.ge [sflag:s15], $0x2800  }
0x6a: {  	[sflag:s15] =	ssyncset.done $0x0  }
0x6b: {  	[sflag:s15] =	ssyncadd.s32 $0xFFFFD800  }
0x6c: {  	_ =	swait.ge [sflag:s20], $0x2800  }
0x6d: {  	[sflag:s20] =	ssyncset.done $0x0  }
0x6e: {  	s28 =	sadd.s32 $0x100, s26;
	[sflag:s20] =	ssyncadd.s32 $0xFFFFD800  }
0x6f: {  	[tilespmem:s14], [sflag:$0x1] =	stream.indirect.gather [hbm4b:s4+s17], $0x80, s28, s17, $0xb8;
	[tilespmem:$0x1F280] =	vst v63  }
.Ltmp2:
0x70: {  	_ = 	snop;
	(pc) =	sbr.rel @p1 .LBB2_6-.Ltmp2, $4  }
0x71: {  	s26 =	sadd.s32 $0x8080, s26  }
0x72: {  	[spmem:s1] =	stream.indirect.scatter.add.f32 [tilespmem:s19], [sflag:$0x3], $0x80, s26, s17, $0xb8;
	[tilespmem:$0x1F280] =	vst v63  }
0x73: {  	_ =	swait.ge [sflag:s15], $0x2800  }
0x74: {  	[sflag:s15] =	ssyncset.done $0x0  }
0x75: {  	[sflag:s15] =	ssyncadd.s32 $0xFFFFD800  }
0x76: {  	_ =	swait.ge [sflag:s18], $0x2800  }
0x77: {  	[sflag:s18] =	ssyncset.done $0x0  }
0x78: {  	[sflag:s18] =	ssyncadd.s32 $0xFFFFD800  }
0x79: {  	[tilespmem:s19], [sflag:$0x2] =	stream.indirect.gather [hbm4b:s4+s17], $0x80, s21, s17, $0xb8;
	[tilespmem:$0x1F280] =	vst v63  }
0x7a: {  	_ = 	snop  }
0x7b: {  	[spmem:s1] =	stream.indirect.scatter.add.f32 [tilespmem:s14], [sflag:$0x3], $0x80, s22, s17, $0xb8;
	[tilespmem:$0x1F280] =	vst v63  }
0x7c: {  	_ =	swait.ge [sflag:s15], $0x2800  }
0x7d: {  	[sflag:s15] =	ssyncset.done $0x0  }
0x7e: {  	[sflag:s15] =	ssyncadd.s32 $0xFFFFD800  }
0x7f: {  	_ =	swait.ge [sflag:s20], $0x2800  }
0x80: {  	[sflag:s20] =	ssyncset.done $0x0  }
0x81: {  	[sflag:s20] =	ssyncadd.s32 $0xFFFFD800  }
0x82: {  	[spmem:s1] =	stream.indirect.scatter.add.f32 [tilespmem:s19], [sflag:$0x3], $0x80, s23, s17, $0xb8;
	[tilespmem:$0x1F280] =	vst v63  }
0x83: {  	_ =	swait.ge [sflag:s15], $0x2800  }
0x84: {  	s25 =	sshll.u32 s2, $0x6;
	s24 =	sadd.s32 $0x1, s24;
	[sflag:s15] =	ssyncset.done $0x0  }
0x85: {  	s26 =	sshrl.u32 s5, $0x3;
	p1 =	sne.s32 s24, s13;
	[sflag:s15] =	ssyncadd.s32 $0xFFFFD800  }
.Ltmp3:
0x86: {  	s25 =	sor.u32 $0x1C03, s25;
	[bflag:$0x0] =	sbarrier.arrive $0xFFFF;
	(pc) =	sbr.rel @p1 .LBB2_1-.Ltmp3, $4  }
0x87: {  	[hbm:s12], [sflag:s25] =	dma.local [spmem:s26], $0x1400  }
0x88: {  	_ =	swait.ge [sflag:s15], $0x1400  }
0x89: {  	[sflag:s15] =	ssyncset.done $0x0  }
0x8a: {  	[sflag:s15] =	ssyncadd.s32 $0xFFFFEC00  }
0x8b: {  	_ =	sfence.sel $0x180000  }
0x8c: {  	[bflag:$0x0] =	sbarrier.arrive $0xFFFF  }
0x8d: {  	_ =	strace $0x9000004A  }
0x8e: {  	s0 =	sadd.s32 @!p0 $0x100000, s0;
	[bflag:$0x2] =	sbarrier.arrive $0xFFFF  }
0x8f: {  	[sflag:s0] =	ssyncadd.tile.s32 @!p0 $0x1;
	_ =	shalt  }
.Lfunc_end2:
_tile_overlayer_lowered:
.L_overlay_start_2:
0x90: {  	(tag) =	ssettag $0x2  }
0x91: {  	s0 =	rddreg [dreg:$0x0];
	s2 =	stileid.u32  }
0x92: {  	s1 =	rddreg [dreg:$0x1];
	p0 =	sne.s32 s2, $0x0  }
0x93: {  	s3 =	rddreg [dreg:$0x2];
	[bflag:$0x3] =	sbarrier.arrive $0xFFFF;
	s2 =	simm.s32 @!p0 $0x1C03  }
0x94: {  	[timem:s3], [sflag:s2] =	dma.local @!p0 [hbm:s0], s1  }
0x95: {  	s0 =	simm.s32 @!p0 $0x3  }
0x96: {  	_ =	swait.ge @!p0 [sflag:s0], s1  }
0x97: {  	s1 =	ssub.s32 @!p0 $0x0, s1;
	[sflag:s0] =	ssyncset.done @!p0 $0x0  }
0x98: {  	[sflag:s0] =	ssyncadd.s32 @!p0 s1  }
0x99: {  	[bflag:$0x3] =	sbarrier.arrive $0xFFFF  }
0x9a: {  	_ =	shalt  }

// kernel: kernel.14.cloned.1.call-start
scs
__scs_entry_jumppad:
0x0: {  	(pc) =	sbr.rel $0x88, $3  }
0x1: {  	(tag) =	ssettag $0x0;
	lr =	simm.s32 $0x1  }
0x2: {  	[smem:$0x3F98] =	sst lr;
	_ =	strace $0xD0000000  }
0x3: {  	_ = 	snop  }
0x4: {  	_ = 	snop  }
0x5: {  	_ = 	snop  }
0x6: {  	_ = 	snop  }
0x7: {  	_ = 	snop  }
__scs_overlays_trampoline_lowered:
0x8: {  	[smem:$0x3FA7] =	sst s0  }
0x9: {  	[smem:$0x3FA8] =	sst s1  }
0xa: {  	[smem:$0x3FA9] =	sst s2  }
0xb: {  	[smem:$0x3FAA] =	sst s3  }
0xc: {  	[smem:$0x3FAB] =	sst s4  }
0xd: {  	[smem:$0x3FAC] =	sst s5  }
0xe: {  	[smem:$0x3FAD] =	sst s6  }
0xf: {  	[smem:$0x3FAE] =	sst s7  }
0x10: {  	[smem:$0x3FAF] =	sst s8  }
0x11: {  	[smem:$0x3FB0] =	sst s9;
	s0 =	simm.s32 @!p0 $0x0  }
0x12: {  	s1 =	sld [smem:$0x3F96];
	s0 =	simm.s32 @p0 $0x1  }
0x13: {  	[smem:$0x3FB1] =	sst s0;
	s0 =	simm.s32 @!p1 $0x0  }
0x14: {  	s2 =	sld [smem:$0x3F95];
	s0 =	simm.s32 @p1 $0x1  }
0x15: {  	[smem:$0x3FB2] =	sst s0;
	s0 =	simm.s32 @!p2 $0x0  }
0x16: {  	s3 =	sld [smem:$0x3FDB];
	s0 =	simm.s32 @p2 $0x1  }
0x17: {  	s4 =	simm.s32 $0x1BF5;
	[smem:$0x3FB4] =	sst s0  }
0x18: {  	s0 =	sld [smem:$0x3F97];
	_ =	swait.ge [sflag:s4], $0x0  }
0x19: {  	s7 =	sld [smem:$0x3F98]  }
0x1a: {  	s8 =	sadd.s32 $0xFFFFE003, lr  }
0x1b: {  	s9 =	sadd.s32 $0xFFFFFEF7, lr;
	s5 =	simm.s32 $0xFFFFFFFF;
	p2 =	slt.u32 s8, $0xFFFFF086  }
0x1c: {  	p1 =	slt.u32 s9, $0xF7A;
	s5 =	simm.s32 @!p2 $0x0  }
0x1d: {  	s5 =	simm.s32 @p1 $0x1;
	p0 =	seq.s32 s7, s2  }
0x1e: {  	s7 =	smul.u32 @!p0 $0xF7A, s2;
	p2 =	seq.s32 @!p0 s5, $0x0  }
0x1f: {  	s9 =	smul.u32 $0xF7A, s1;
	s8 =	simm.s32 @!p0 $0x1BF5;
	p2 =	por !p2, p0  }
0x20: {  	[sflag:s8] =	ssyncset.s32 @!p0 $0xFFFFF086;
	s6 =	sadd.s32 @!p0 s3, s7;
	s7 =	simm.s32 @!p0 $0x108  }
0x21: {  	s3 =	sadd.s32 s3, s9;
	s6 =	sadd.s32 @!p0 $0x88, s6;
	s7 =	simm.s32 @p2 $0x1082  }
0x22: {  	[simem:s7], [sflag:s8] =	dma.local @!p0 [hbm:s6], $0xF7A  }
0x23: {  	s9 =	sor.u32 $0xD0000000, s2;
	s6 =	simm.s32 $0x108;
	_ =	swait.ge @!p0 [sflag:s8], $0x0  }
0x24: {  	s3 =	sadd.s32 $0x88, s3;
	s6 =	simm.s32 @!p1 $0x1082;
	[sflag:s4] =	ssyncset.s32 $0xFFFFF086  }
0x25: {  	[simem:s6], [sflag:s4] =	dma.local [hbm:s3], $0xF7A  }
0x26: {  	[smem:$0x3F98] =	sst s1;
	(tag) =	ssettag s2;
	_ =	strace s9  }
0x27: {  	s1 =	sld [smem:$0x3FA8]  }
0x28: {  	s2 =	sld [smem:$0x3FA9]  }
0x29: {  	s4 =	sld [smem:$0x3FAB]  }
0x2a: {  	p0 =	seq.s32 s5, $0x0;
	s5 =	sld [smem:$0x3FAC]  }
0x2b: {  	s6 =	sld [smem:$0x3FAD]  }
0x2c: {  	s7 =	sld [smem:$0x3FAE]  }
0x2d: {  	s3 =	simm.s32 $0x108;
	s8 =	sld [smem:$0x3FAF]  }
0x2e: {  	s3 =	simm.s32 @!p0 $0x1082;
	s9 =	sld [smem:$0x3FB0]  }
0x2f: {  	lr =	sadd.s32 s0, s3;
	s0 =	sld [smem:$0x3FA7]  }
0x30: {  	s3 =	sld [smem:$0x3FAA]  }
0x31: {  	[smem:$0x3FB3] =	sst s10  }
0x32: {  	s10 =	sld [smem:$0x3FB1];
	_ =	sdelay $0x3  }
0x33: {  	p0 =	seq.s32 s10, $0x1;
	s10 =	sld [smem:$0x3FB3];
	_ =	sdelay $0x3  }
0x34: {  	[smem:$0x3FB3] =	sst s10  }
0x35: {  	s10 =	sld [smem:$0x3FB2];
	_ =	sdelay $0x3  }
0x36: {  	p1 =	seq.s32 s10, $0x1;
	s10 =	sld [smem:$0x3FB3];
	_ =	sdelay $0x3  }
0x37: {  	[smem:$0x3FB3] =	sst s10  }
0x38: {  	s10 =	sld [smem:$0x3FB4]  }
0x39: {  	_ = 	snop;
	(pc) =	sbr.ind lr, $3  }
0x3a: {  	_ = 	snop  }
0x3b: {  	_ = 	snop  }
0x3c: {  	p2 =	seq.s32 s10, $0x1;
	s10 =	sld [smem:$0x3FB3]  }
0x3d: {  	_ =	shalt  }
0x3e: {  	_ =	shalt  }
0x3f: {  	_ =	shalt  }
0x40: {  	_ =	shalt  }
0x41: {  	_ =	shalt  }
0x42: {  	_ =	shalt  }
0x43: {  	_ =	shalt  }
0x44: {  	_ =	shalt  }
0x45: {  	_ =	shalt  }
0x46: {  	_ =	shalt  }
0x47: {  	_ =	shalt  }
0x48: {  	_ =	shalt  }
0x49: {  	_ =	shalt  }
0x4a: {  	_ =	shalt  }
0x4b: {  	_ =	shalt  }
0x4c: {  	_ =	shalt  }
0x4d: {  	_ =	shalt  }
0x4e: {  	_ =	shalt  }
0x4f: {  	_ =	shalt  }
0x50: {  	_ =	shalt  }
0x51: {  	_ =	shalt  }
0x52: {  	_ =	shalt  }
0x53: {  	_ =	shalt  }
0x54: {  	_ =	shalt  }
0x55: {  	_ =	shalt  }
0x56: {  	_ =	shalt  }
0x57: {  	_ =	shalt  }
0x58: {  	_ =	shalt  }
0x59: {  	_ =	shalt  }
0x5a: {  	_ =	shalt  }
0x5b: {  	_ =	shalt  }
0x5c: {  	_ =	shalt  }
0x5d: {  	_ =	shalt  }
0x5e: {  	_ =	shalt  }
0x5f: {  	_ =	shalt  }
0x60: {  	_ =	shalt  }
0x61: {  	_ =	shalt  }
0x62: {  	_ =	shalt  }
0x63: {  	_ =	shalt  }
0x64: {  	_ =	shalt  }
0x65: {  	_ =	shalt  }
0x66: {  	_ =	shalt  }
0x67: {  	_ =	shalt  }
0x68: {  	_ =	shalt  }
0x69: {  	_ =	shalt  }
0x6a: {  	_ =	shalt  }
0x6b: {  	_ =	shalt  }
0x6c: {  	_ =	shalt  }
0x6d: {  	_ =	shalt  }
0x6e: {  	_ =	shalt  }
0x6f: {  	_ =	shalt  }
0x70: {  	_ =	shalt  }
0x71: {  	_ =	shalt  }
0x72: {  	_ =	shalt  }
0x73: {  	_ =	shalt  }
0x74: {  	_ =	shalt  }
0x75: {  	_ =	shalt  }
0x76: {  	_ =	shalt  }
0x77: {  	_ =	shalt  }
0x78: {  	_ =	shalt  }
0x79: {  	_ =	shalt  }
0x7a: {  	_ =	shalt  }
0x7b: {  	_ =	shalt  }
0x7c: {  	_ =	shalt  }
0x7d: {  	_ =	shalt  }
0x7e: {  	_ =	shalt  }
0x7f: {  	_ =	shalt  }
0x80: {  	_ =	shalt  }
0x81: {  	_ =	shalt  }
0x82: {  	_ =	shalt  }
0x83: {  	_ =	shalt  }
0x84: {  	_ =	shalt  }
0x85: {  	_ =	shalt  }
0x86: {  	_ =	shalt  }
0x87: {  	_ =	shalt  }
.Lfunc_end0:
.L_simem_size_0:
called_computation.2_lowered:
.L_overlay_start_0:
0x88: {  	s2 =	sld [smem:$0x3FD9]  }
0x89: {  	s3 =	sld [smem:$0x3FFE];
	_ =	sdelay $0x1  }
0x8a: {  	s1 =	srdreg.scid  }
0x8b: {  	s0 =	sand.u32 $0x1, s1  }
0x8c: {  	s16 =	sshll.u32 s0, $0xA;
	s2 =	sadd.s32 s3, s2  }
0x8d: {  	s2 =	sadd.s32 s2, s16  }
0x8e: {  	[smem:$0x3FBF] =	sst s2  }
0x8f: {  	_ = 	snop  }
0x90: {  	(tm) =	ssettm $0x1  }
0x91: {  	s17 =	sld [smem:$0x3FFB];
	_ =	sdelay $0x3  }
0x92: {  	_ =	strace s17  }
0x93: {  	s2 =	sld [smem:$0x3FFC];
	_ =	sdelay $0x3  }
0x94: {  	_ =	strace s2  }
0x95: {  	s2 =	sld [smem:$0x3FFD];
	_ =	sdelay $0x3  }
0x96: {  	_ =	strace s2  }
0x97: {  	_ =	strace $0x8FFFFFFF  }
0x98: {  	s18 =	sld [smem:$0x3FDB];
	_ =	sdelay $0x1  }
0x99: {  	s19 =	simm.s32 $_scs_section_size  }
0x9a: {  	s4 =	simm.s32 $_size__tile_overlayer_lowered;
	s5 =	simm.s32 $_tile_overlayer_lowered  }
0x9b: {  	s22 =	simm.s32 $0x1BFF;
	s21 =	sshll.u32 s5, $0x1;
	s2 =	sadd.s32 s19, s18  }
0x9c: {  	s6 =	simm.s32 $0x0;
	s20 =	sshll.u32 s4, $0x1;
	s4 =	sadd.s32 s21, s2  }
0x9d: {  	[timem:s6], [sflag:s22] =	dma.local [hbm:s4], s20  }
0x9e: {  	_ =	swait.ge [sflag:s22], s20  }
0x9f: {  	s3 =	ssub.s32 $0x0, s20;
	[sflag:s22] =	ssyncset.done $0x0  }
0xa0: {  	[sflag:s22] =	ssyncadd.s32 s3;
	_ =	sdelay $0x1  }
0xa1: {  	s23 =	simm.s32 $0x1B8B  }
0xa2: {  	_ =	swait.ge [sflag:s23], $0x1  }
0xa3: {  	[sflag:s23] =	ssyncset.done $0x0  }
0xa4: {  	s25 =	simm.s32 $0x1B8E;
	s24 =	sld [smem:$0x3FFE];
	[sflag:s23] =	ssyncadd.s32 $0xFFFFFFFF  }
0xa5: {  	s26 =	simm.s32 $execute0_lowered;
	[smem:$0x3FD2] =	sst s25  }
0xa6: {  	s4 =	sshll.u32 s26, $0x1;
	_ =	strace $0x8000004C;
	[dreg:$0x1] =	wrdreg $0xFFFFFFFF  }
0xa7: {  	s28 =	simm.s32 $_size_execute0_lowered;
	s2 =	sadd.s32 s2, s4;
	[dreg:$0x0] =	wrdreg $0x0  }
0xa8: {  	s4 =	sshll.u32 s28, $0x1;
	[dreg:$0x2] =	wrdreg s2  }
0xa9: {  	[dreg:$0x3] =	wrdreg s4  }
0xaa: {  	[dreg:$0x4] =	wrdreg $0xC0  }
0xab: {  	_ =	task [dreg:s6], $0x5FFFF  }
0xac: {  	[dreg:$0x1] =	wrdreg $0xFFFFFFFF  }
0xad: {  	[dreg:$0x0] =	wrdreg $0x60  }
0xae: {  	[dreg:$0x2] =	wrdreg s24  }
0xaf: {  	[dreg:$0x3] =	wrdreg $0x150000  }
0xb0: {  	[dreg:$0x4] =	wrdreg $0x9  }
0xb1: {  	_ =	task.clear_ibuf [dreg:s6], $0x5FFFF;
	_ =	strace $0x9000004C  }
0xb2: {  	s29 =	simm.s32 $0x9;
	_ =	strace $0x8000004E  }
0xb3: {  	_ =	swait.ge [sflag:s29], $0x1  }
0xb4: {  	[sflag:s29] =	ssyncadd.s32 $0xFFFFFFFF  }
0xb5: {  	_ =	strace $0x9000004E  }
0xb6: {  	_ =	sfence  }
0xb7: {  	s30 =	sld [smem:$0x0];
	_ =	sdelay $0x2  }
0xb8: {  	s31 =	sshll.u32 s1, $0xD;
	s1 =	sshrl.u32 s1, $0x2  }
0xb9: {  	s3 =	sand.u32 $0x4000, s31;
	s1 =	sadd.s32 s1, s30  }
0xba: {  	s0 =	sor.u32 s3, s0;
	s1 =	sshll.u32 s1, $0x11  }
0xbb: {  	s0 =	sor.u32 s1, s0  }
0xbc: {  	s0 =	sadd.s32 $0x8F2B, s0  }
0xbd: {  	[sflag:s0] =	ssyncadd.remote.s32 $0x1  }
0xbe: {  	_ =	sfence.sel $0xFFFF  }
0xbf: {  	[dreg:$0x0] =	wrdreg $0xFFFFFFFF;
	(pc) =	sbr.abs _section_cstart, $3  }
0xc0: {  	[dreg:$0x1] =	wrdreg $0xFFFFFFFF  }
0xc1: {  	_ =	task.clear_ibuf [dreg:s6], $0x2FFFF;
	_ =	strace $0x9FFFFFFF  }
0xc2: {  	(tm) =	ssettm $0x7FFFFFFF  }
0xc3: {  	_ =	shalt  }
tec
execute0_lowered:
.L_overlay_start_1:
0x0: {  	(tag) =	ssettag $0x1  }
0x1: {  	s5 =	rddreg [dreg:$0x0]  }
0x2: {  	s1 =	rddreg [dreg:$0x1]  }
0x3: {  	s0 =	rddreg [dreg:$0x2];
	s2 =	stileid.u32  }
0x4: {  	s4 =	srdreg.scid;
	s3 =	simm.s32 $0x0;
	s14 =	simm.s32 $0x10000  }
0x5: {  	s15 =	simm.s32 $0x3;
	s16 =	simm.s32 $0x8000;
	s17 =	simm.s32 $0x50  }
0x6: {  	s18 =	simm.s32 $0x1;
	s19 =	simm.s32 $0x12800;
	s20 =	simm.s32 $0x2  }
0x7: {  	s21 =	simm.s32 $0x7C80;
	s23 =	simm.s32 $0xFC80;
	s24 =	simm.s32 $0x0  }
0x8: {  	s6 =	sand.u32 $0x1, s4;
	s7 =	smul.u32 $0x140, s2;
	[smem:$0x7FF] =	sst s3  }
0x9: {  	s30 =	sshll.u32 s2, $0xC;
	s8 =	smul.u32 $0x28000, s2;
	s4 =	sadd.s32 $0x5BC00, s5  }
0xa: {  	s9 =	sadd.s32 $0xA0000, s1;
	p0 =	sne.s32 s2, $0x0;
	s22 =	smul.u32 $0x1400, s6  }
0xb: {  	_ =	strace $0x8000004D;
	s11 =	sadd.s32 s30, s5;
	s6 =	ssub.s32 $0x2, s6  }
0xc: {  	s8 =	sshrl.u32 s8, $0x2;
	s31 =	sshrl.u32 s6, $0x1;
	s7 =	sadd.s32 s7, s22  }
0xd: {  	s10 =	sadd.s32 $0x23C00, s11;
	s11 =	sadd.s32 $0x13C00, s11;
	s7 =	sshll.u32 s7, $0x4  }
0xe: {  	s13 =	ssub.s32 s6, s31;
	s12 =	sadd.s32 s7, s5;
	s5 =	sadd.s32 s8, s1  }
0xf: {  	v0 =	vmov s22;
	s22 =	simm.s32 $0xFC00;
	s13 =	smax.u32 s13, $0x1;
	s6 =	sadd.s32 $0x2800, s5  }
0x10: {  	v1 =	vimm.f32 $0.0e+00;
	s7 =	sadd.s32 $0x5000, s5;
	s8 =	sadd.s32 $0x7800, s5;
	s12 =	sadd.s32 $0x83C00, s12  }
.LBB2_1:
0x11: {  	s25 =	sand.u32 $0xFE00, s3  }
0x12: {  	s26 =	sand.u32 $0x70, s3;
	s28 =	sshrl.u32 s25, $0x2  }
0x13: {  	s25 =	simm.s32 $0x40;
	s28 =	sor.u32 s26, s28;
	s26 =	simm.s32 $0x0  }
.LBB2_2:
0x14: {  	p1 =	sne.s32 s25, $0x9FC0  }
0x15: {  	[tilespmem:s28+$0x10000] =	vst v1;
	s26 =	sadd.s32 $0x10, s26;
	s28 =	smov.u32 s25;
	s25 =	sadd.s32 $0x40, s25  }
.Ltmp0:
0x16: {  	(pc) =	sbr.rel @p1 .LBB2_2-.Ltmp0, $4  }
0x17: {  	_ = 	snop  }
0x18: {  	s28 =	sand.u32 $0xFE00, s28  }
0x19: {  	s29 =	sand.u32 $0x70, s26;
	s28 =	sshrl.u32 s28, $0x2  }
0x1a: {  	s28 =	sor.u32 s29, s28  }
0x1b: {  	[tilespmem:s28+$0x10000] =	vst v1  }
0x1c: {  	[spmem:s5] =	stream.linear.scatter [tilespmem:s14], [sflag:$0x3], $0x2800, $0x38;
	[tilespmem:$0x1F280] =	vst v63  }
0x1d: {  	_ =	swait.ge [sflag:s15], $0x2800  }
0x1e: {  	[sflag:s15] =	ssyncset.done $0x0  }
0x1f: {  	[sflag:s15] =	ssyncadd.s32 $0xFFFFD800  }
0x20: {  	[spmem:s6] =	stream.linear.scatter [tilespmem:s14], [sflag:$0x3], $0x2800, $0x38;
	[tilespmem:$0x1F280] =	vst v63  }
0x21: {  	_ =	swait.ge [sflag:s15], $0x2800  }
0x22: {  	[sflag:s15] =	ssyncset.done $0x0  }
0x23: {  	[sflag:s15] =	ssyncadd.s32 $0xFFFFD800  }
0x24: {  	[spmem:s7] =	stream.linear.scatter [tilespmem:s14], [sflag:$0x3], $0x2800, $0x38;
	[tilespmem:$0x1F280] =	vst v63  }
0x25: {  	_ =	swait.ge [sflag:s15], $0x2800  }
0x26: {  	[sflag:s15] =	ssyncset.done $0x0  }
0x27: {  	[sflag:s15] =	ssyncadd.s32 $0xFFFFD800  }
0x28: {  	[spmem:s8] =	stream.linear.scatter [tilespmem:s14], [sflag:$0x3], $0x2800, $0x38;
	[tilespmem:$0x1F280] =	vst v63  }
0x29: {  	_ =	swait.ge [sflag:s15], $0x2800  }
0x2a: {  	[sflag:s15] =	ssyncset.done $0x0  }
0x2b: {  	s25 =	simm.s32 @!p0 $0x10000;
	[sflag:s15] =	ssyncadd.s32 $0xFFFFD800  }
0x2c: {  	[spmem:s9] =	stream.linear.scatter @!p0 [tilespmem:s25], [sflag:$0x3], $0x2800, $0x38;
	[tilespmem:$0x1F280] =	vst v63  }
0x2d: {  	s25 =	simm.s32 @!p0 $0x3  }
0x2e: {  	_ =	swait.ge @!p0 [sflag:s25], $0x2800  }
0x2f: {  	[sflag:s25] =	ssyncset.done @!p0 $0x0  }
0x30: {  	s31 =	simm.s32 $0x0;
	[sflag:s25] =	ssyncadd.s32 @!p0 $0xFFFFD800  }
0x31: {  	[tilespmem:s31], [sflag:$0x3] =	stream.linear.gather [hbm4b:s10+s31], $0x7D00, $0x38;
	[tilespmem:$0x1F280] =	vst v63  }
0x32: {  	_ =	swait.ge [sflag:s15], $0x7D00  }
0x33: {  	[sflag:s15] =	ssyncset.done $0x0  }
0x34: {  	[sflag:s15] =	ssyncadd.s32 $0xFFFF8300  }
0x35: {  	[tilespmem:s16], [sflag:$0x3] =	stream.linear.gather [hbm4b:s11+s31], $0x7D00, $0x38;
	[tilespmem:$0x1F280] =	vst v63  }
0x36: {  	_ =	swait.ge [sflag:s15], $0x7D00  }
0x37: {  	[sflag:s15] =	ssyncset.done $0x0  }
0x38: {  	s25 =	simm.s32 $0x0;
	[sflag:s15] =	ssyncadd.s32 $0xFFFF8300  }
0x39: {  	v4 =	vld [tilespmem:s25+$0x8000]  }
0x3a: {  	v5 =	vld [tilespmem:s25+$0x8010]  }
0x3b: {  	v3 =	vld [tilespmem:s25+$0x8020]  }
0x3c: {  	s26 =	simm.s32 $0x200;
	v2 =	vld [tilespmem:s25+$0x8030]  }
.LBB2_4:
0x3d: {  	p1 =	sne.s32 s26, $0x1F200;
	v6 =	vld [tilespmem:s25+$0x8040]  }
0x3e: {  	v4 =	vsub.s32 v4, v0  }
0x3f: {  	v4 =	vmin.u32 v4, $0x1400;
	v5 =	vsub.s32 v5, v0  }
.Ltmp1:
0x40: {  	s28 =	sshra.s32 s26, $0x2;
	[tilespmem:s25+$0x8000] =	vst v4;
	v5 =	vmin.u32 v5, $0x1400;
	v3 =	vsub.s32 v3, v0;
	(pc) =	sbr.rel @p1 .LBB2_4-.Ltmp1, $4  }
0x41: {  	v4 =	vld [tilespmem:s28+$0x8000];
	[tilespmem:s25+$0x8010] =	vst v5;
	v3 =	vmin.u32 v3, $0x1400;
	v2 =	vsub.s32 v2, v0  }
0x42: {  	v5 =	vld [tilespmem:s28+$0x8010];
	[tilespmem:s25+$0x8020] =	vst v3;
	v2 =	vmin.u32 v2, $0x1400;
	v6 =	vsub.s32 v6, v0  }
0x43: {  	v3 =	vld [tilespmem:s28+$0x8020];
	[tilespmem:s25+$0x8030] =	vst v2;
	v6 =	vmin.u32 v6, $0x1400  }
0x44: {  	s26 =	sadd.s32 $0x200, s26;
	v2 =	vld [tilespmem:s28+$0x8030];
	[tilespmem:s25+$0x8040] =	vst v6;
	s25 =	smov.u32 s28  }
0x45: {  	v6 =	vld [tilespmem:s25+$0x8040]  }
0x46: {  	v4 =	vsub.s32 v4, v0  }
0x47: {  	v4 =	vmin.u32 v4, $0x1400;
	v5 =	vsub.s32 v5, v0  }
0x48: {  	[tilespmem:s25+$0x8000] =	vst v4;
	v63 =	vmin.u32 v5, $0x1400;
	v3 =	vsub.s32 v3, v0  }
0x49: {  	[tilespmem:s25+$0x8010] =	vst v63;
	v3 =	vmin.u32 v3, $0x1400;
	v2 =	vsub.s32 v2, v0  }
0x4a: {  	[tilespmem:s25+$0x8020] =	vst v3;
	v2 =	vmin.u32 v2, $0x1400;
	v3 =	vsub.s32 v6, v0  }
0x4b: {  	[tilespmem:s25+$0x8030] =	vst v2;
	v2 =	vmin.u32 v3, $0x1400  }
0x4c: {  	[tilespmem:s25+$0x8040] =	vst v2  }
0x4d: {  	s26 =	simm.s32 $0x0;
	[bflag:$0x0] =	sbarrier.arrive $0xFFFF  }
0x4e: {  	[tilespmem:s14], [sflag:$0x1] =	stream.indirect.gather [hbm4b:s4+s17], $0x80, s26, s17, $0xb8;
	[tilespmem:$0x1F280] =	vst v63  }
0x4f: {  	_ =	swait.ge [sflag:s18], $0x2800  }
0x50: {  	[sflag:s18] =	ssyncset.done $0x0  }
0x51: {  	s28 =	simm.s32 $0x80;
	[sflag:s18] =	ssyncadd.s32 $0xFFFFD800  }
0x52: {  	[tilespmem:s19], [sflag:$0x2] =	stream.indirect.gather [hbm4b:s4+s17], $0x80, s28, s17, $0xb8;
	[tilespmem:$0x1F280] =	vst v63  }
0x53: {  	s29 =	simm.s32 $0x8000  }
0x54: {  	[spmem:s1] =	stream.indirect.scatter.add.f32 [tilespmem:s14], [sflag:$0x3], $0x80, s29, s17, $0xb8;
	[tilespmem:$0x1F280] =	vst v63  }
0x55: {  	_ =	swait.ge [sflag:s15], $0x2800  }
0x56: {  	[sflag:s15] =	ssyncset.done $0x0  }
0x57: {  	[sflag:s15] =	ssyncadd.s32 $0xFFFFD800  }
0x58: {  	_ =	swait.ge [sflag:s20], $0x2800  }
0x59: {  	[sflag:s20] =	ssyncset.done $0x0  }
0x5a: {  	s30 =	simm.s32 $0x100;
	[sflag:s20] =	ssyncadd.s32 $0xFFFFD800  }
0x5b: {  	[tilespmem:s14], [sflag:$0x1] =	stream.indirect.gather [hbm4b:s4+s17], $0x80, s30, s17, $0xb8;
	[tilespmem:$0x1F280] =	vst v63  }
0x5c: {  	s31 =	simm.s32 $0x8080  }
0x5d: {  	[spmem:s1] =	stream.indirect.scatter.add.f32 [tilespmem:s19], [sflag:$0x3], $0x80, s31, s17, $0xb8;
	[tilespmem:$0x1F280] =	vst v63  }
0x5e: {  	_ =	swait.ge [sflag:s15], $0x2800  }
0x5f: {  	s25 =	simm.s32 $0x400;
	[sflag:s15] =	ssyncset.done $0x0  }
.LBB2_6:
0x60: {  	p1 =	sne.s32 s25, $0x1EC00  }
0x61: {  	[sflag:s15] =	ssyncadd.s32 $0xFFFFD800;
	s26 =	smov.u32 s25;
	s25 =	sadd.s32 $0x400, s25  }
0x62: {  	_ = 	snop  }
0x63: {  	_ =	swait.ge [sflag:s18], $0x2800  }
0x64: {  	s26 =	sshra.s32 s26, $0x2;
	[sflag:s18] =	ssyncset.done $0x0  }
0x65: {  	s28 =	sadd.s32 $0x80, s26;
	[sflag:s18] =	ssyncadd.s32 $0xFFFFD800  }
0x66: {  	[tilespmem:s19], [sflag:$0x2] =	stream.indirect.gather [hbm4b:s4+s17], $0x80, s28, s17, $0xb8;
	[tilespmem:$0x1F280] =	vst v63  }
0x67: {  	s28 =	sadd.s32 $0x8000, s26  }
0x68: {  	[spmem:s1] =	stream.indirect.scatter.add.f32 [tilespmem:s14], [sflag:$0x3], $0x80, s28, s17, $0xb8;
	[tilespmem:$0x1F280] =	vst v63  }
0x69: {  	_ =	swait.ge [sflag:s15], $0x2800  }
0x6a: {  	[sflag:s15] =	ssyncset.done $0x0  }
0x6b: {  	[sflag:s15] =	ssyncadd.s32 $0xFFFFD800  }
0x6c: {  	_ =	swait.ge [sflag:s20], $0x2800  }
0x6d: {  	[sflag:s20] =	ssyncset.done $0x0  }
0x6e: {  	s28 =	sadd.s32 $0x100, s26;
	[sflag:s20] =	ssyncadd.s32 $0xFFFFD800  }
0x6f: {  	[tilespmem:s14], [sflag:$0x1] =	stream.indirect.gather [hbm4b:s4+s17], $0x80, s28, s17, $0xb8;
	[tilespmem:$0x1F280] =	vst v63  }
.Ltmp2:
0x70: {  	_ = 	snop;
	(pc) =	sbr.rel @p1 .LBB2_6-.Ltmp2, $4  }
0x71: {  	s26 =	sadd.s32 $0x8080, s26  }
0x72: {  	[spmem:s1] =	stream.indirect.scatter.add.f32 [tilespmem:s19], [sflag:$0x3], $0x80, s26, s17, $0xb8;
	[tilespmem:$0x1F280] =	vst v63  }
0x73: {  	_ =	swait.ge [sflag:s15], $0x2800  }
0x74: {  	[sflag:s15] =	ssyncset.done $0x0  }
0x75: {  	[sflag:s15] =	ssyncadd.s32 $0xFFFFD800  }
0x76: {  	_ =	swait.ge [sflag:s18], $0x2800  }
0x77: {  	[sflag:s18] =	ssyncset.done $0x0  }
0x78: {  	[sflag:s18] =	ssyncadd.s32 $0xFFFFD800  }
0x79: {  	[tilespmem:s19], [sflag:$0x2] =	stream.indirect.gather [hbm4b:s4+s17], $0x80, s21, s17, $0xb8;
	[tilespmem:$0x1F280] =	vst v63  }
0x7a: {  	_ = 	snop  }
0x7b: {  	[spmem:s1] =	stream.indirect.scatter.add.f32 [tilespmem:s14], [sflag:$0x3], $0x80, s22, s17, $0xb8;
	[tilespmem:$0x1F280] =	vst v63  }
0x7c: {  	_ =	swait.ge [sflag:s15], $0x2800  }
0x7d: {  	[sflag:s15] =	ssyncset.done $0x0  }
0x7e: {  	[sflag:s15] =	ssyncadd.s32 $0xFFFFD800  }
0x7f: {  	_ =	swait.ge [sflag:s20], $0x2800  }
0x80: {  	[sflag:s20] =	ssyncset.done $0x0  }
0x81: {  	[sflag:s20] =	ssyncadd.s32 $0xFFFFD800  }
0x82: {  	[spmem:s1] =	stream.indirect.scatter.add.f32 [tilespmem:s19], [sflag:$0x3], $0x80, s23, s17, $0xb8;
	[tilespmem:$0x1F280] =	vst v63  }
0x83: {  	_ =	swait.ge [sflag:s15], $0x2800  }
0x84: {  	s25 =	sshll.u32 s2, $0x6;
	s24 =	sadd.s32 $0x1, s24;
	[sflag:s15] =	ssyncset.done $0x0  }
0x85: {  	s26 =	sshrl.u32 s5, $0x3;
	p1 =	sne.s32 s24, s13;
	[sflag:s15] =	ssyncadd.s32 $0xFFFFD800  }
.Ltmp3:
0x86: {  	s25 =	sor.u32 $0x1C03, s25;
	[bflag:$0x0] =	sbarrier.arrive $0xFFFF;
	(pc) =	sbr.rel @p1 .LBB2_1-.Ltmp3, $4  }
0x87: {  	[hbm:s12], [sflag:s25] =	dma.local [spmem:s26], $0x1400  }
0x88: {  	_ =	swait.ge [sflag:s15], $0x1400  }
0x89: {  	[sflag:s15] =	ssyncset.done $0x0  }
0x8a: {  	[sflag:s15] =	ssyncadd.s32 $0xFFFFEC00  }
0x8b: {  	_ =	sfence.sel $0x180000  }
0x8c: {  	[bflag:$0x0] =	sbarrier.arrive $0xFFFF  }
0x8d: {  	_ =	strace $0x9000004D  }
0x8e: {  	s0 =	sadd.s32 @!p0 $0x100000, s0;
	[bflag:$0x2] =	sbarrier.arrive $0xFFFF  }
0x8f: {  	[sflag:s0] =	ssyncadd.tile.s32 @!p0 $0x1;
	_ =	shalt  }
.Lfunc_end2:
_tile_overlayer_lowered:
.L_overlay_start_2:
0x90: {  	(tag) =	ssettag $0x2  }
0x91: {  	s0 =	rddreg [dreg:$0x0];
	s2 =	stileid.u32  }
0x92: {  	s1 =	rddreg [dreg:$0x1];
	p0 =	sne.s32 s2, $0x0  }
0x93: {  	s3 =	rddreg [dreg:$0x2];
	[bflag:$0x3] =	sbarrier.arrive $0xFFFF;
	s2 =	simm.s32 @!p0 $0x1C03  }
0x94: {  	[timem:s3], [sflag:s2] =	dma.local @!p0 [hbm:s0], s1  }
0x95: {  	s0 =	simm.s32 @!p0 $0x3  }
0x96: {  	_ =	swait.ge @!p0 [sflag:s0], s1  }
0x97: {  	s1 =	ssub.s32 @!p0 $0x0, s1;
	[sflag:s0] =	ssyncset.done @!p0 $0x0  }
0x98: {  	[sflag:s0] =	ssyncadd.s32 @!p0 s1  }
0x99: {  	[bflag:$0x3] =	sbarrier.arrive $0xFFFF  }
0x9a: {  	_ =	shalt  }

// kernel: kernel.8.cloned.1.call-start
scs
__scs_entry_jumppad:
0x0: {  	(pc) =	sbr.rel $0x88, $3  }
0x1: {  	(tag) =	ssettag $0x0;
	lr =	simm.s32 $0x1  }
0x2: {  	[smem:$0x3F98] =	sst lr;
	_ =	strace $0xD0000000  }
0x3: {  	_ = 	snop  }
0x4: {  	_ = 	snop  }
0x5: {  	_ = 	snop  }
0x6: {  	_ = 	snop  }
0x7: {  	_ = 	snop  }
__scs_overlays_trampoline_lowered:
0x8: {  	[smem:$0x3FA7] =	sst s0  }
0x9: {  	[smem:$0x3FA8] =	sst s1  }
0xa: {  	[smem:$0x3FA9] =	sst s2  }
0xb: {  	[smem:$0x3FAA] =	sst s3  }
0xc: {  	[smem:$0x3FAB] =	sst s4  }
0xd: {  	[smem:$0x3FAC] =	sst s5  }
0xe: {  	[smem:$0x3FAD] =	sst s6  }
0xf: {  	[smem:$0x3FAE] =	sst s7  }
0x10: {  	[smem:$0x3FAF] =	sst s8  }
0x11: {  	[smem:$0x3FB0] =	sst s9;
	s0 =	simm.s32 @!p0 $0x0  }
0x12: {  	s1 =	sld [smem:$0x3F96];
	s0 =	simm.s32 @p0 $0x1  }
0x13: {  	[smem:$0x3FB1] =	sst s0;
	s0 =	simm.s32 @!p1 $0x0  }
0x14: {  	s2 =	sld [smem:$0x3F95];
	s0 =	simm.s32 @p1 $0x1  }
0x15: {  	[smem:$0x3FB2] =	sst s0;
	s0 =	simm.s32 @!p2 $0x0  }
0x16: {  	s3 =	sld [smem:$0x3FDB];
	s0 =	simm.s32 @p2 $0x1  }
0x17: {  	s4 =	simm.s32 $0x1BF5;
	[smem:$0x3FB4] =	sst s0  }
0x18: {  	s0 =	sld [smem:$0x3F97];
	_ =	swait.ge [sflag:s4], $0x0  }
0x19: {  	s7 =	sld [smem:$0x3F98]  }
0x1a: {  	s8 =	sadd.s32 $0xFFFFE003, lr  }
0x1b: {  	s9 =	sadd.s32 $0xFFFFFEF7, lr;
	s5 =	simm.s32 $0xFFFFFFFF;
	p2 =	slt.u32 s8, $0xFFFFF086  }
0x1c: {  	p1 =	slt.u32 s9, $0xF7A;
	s5 =	simm.s32 @!p2 $0x0  }
0x1d: {  	s5 =	simm.s32 @p1 $0x1;
	p0 =	seq.s32 s7, s2  }
0x1e: {  	s7 =	smul.u32 @!p0 $0xF7A, s2;
	p2 =	seq.s32 @!p0 s5, $0x0  }
0x1f: {  	s9 =	smul.u32 $0xF7A, s1;
	s8 =	simm.s32 @!p0 $0x1BF5;
	p2 =	por !p2, p0  }
0x20: {  	[sflag:s8] =	ssyncset.s32 @!p0 $0xFFFFF086;
	s6 =	sadd.s32 @!p0 s3, s7;
	s7 =	simm.s32 @!p0 $0x108  }
0x21: {  	s3 =	sadd.s32 s3, s9;
	s6 =	sadd.s32 @!p0 $0x88, s6;
	s7 =	simm.s32 @p2 $0x1082  }
0x22: {  	[simem:s7], [sflag:s8] =	dma.local @!p0 [hbm:s6], $0xF7A  }
0x23: {  	s9 =	sor.u32 $0xD0000000, s2;
	s6 =	simm.s32 $0x108;
	_ =	swait.ge @!p0 [sflag:s8], $0x0  }
0x24: {  	s3 =	sadd.s32 $0x88, s3;
	s6 =	simm.s32 @!p1 $0x1082;
	[sflag:s4] =	ssyncset.s32 $0xFFFFF086  }
0x25: {  	[simem:s6], [sflag:s4] =	dma.local [hbm:s3], $0xF7A  }
0x26: {  	[smem:$0x3F98] =	sst s1;
	(tag) =	ssettag s2;
	_ =	strace s9  }
0x27: {  	s1 =	sld [smem:$0x3FA8]  }
0x28: {  	s2 =	sld [smem:$0x3FA9]  }
0x29: {  	s4 =	sld [smem:$0x3FAB]  }
0x2a: {  	p0 =	seq.s32 s5, $0x0;
	s5 =	sld [smem:$0x3FAC]  }
0x2b: {  	s6 =	sld [smem:$0x3FAD]  }
0x2c: {  	s7 =	sld [smem:$0x3FAE]  }
0x2d: {  	s3 =	simm.s32 $0x108;
	s8 =	sld [smem:$0x3FAF]  }
0x2e: {  	s3 =	simm.s32 @!p0 $0x1082;
	s9 =	sld [smem:$0x3FB0]  }
0x2f: {  	lr =	sadd.s32 s0, s3;
	s0 =	sld [smem:$0x3FA7]  }
0x30: {  	s3 =	sld [smem:$0x3FAA]  }
0x31: {  	[smem:$0x3FB3] =	sst s10  }
0x32: {  	s10 =	sld [smem:$0x3FB1];
	_ =	sdelay $0x3  }
0x33: {  	p0 =	seq.s32 s10, $0x1;
	s10 =	sld [smem:$0x3FB3];
	_ =	sdelay $0x3  }
0x34: {  	[smem:$0x3FB3] =	sst s10  }
0x35: {  	s10 =	sld [smem:$0x3FB2];
	_ =	sdelay $0x3  }
0x36: {  	p1 =	seq.s32 s10, $0x1;
	s10 =	sld [smem:$0x3FB3];
	_ =	sdelay $0x3  }
0x37: {  	[smem:$0x3FB3] =	sst s10  }
0x38: {  	s10 =	sld [smem:$0x3FB4]  }
0x39: {  	_ = 	snop;
	(pc) =	sbr.ind lr, $3  }
0x3a: {  	_ = 	snop  }
0x3b: {  	_ = 	snop  }
0x3c: {  	p2 =	seq.s32 s10, $0x1;
	s10 =	sld [smem:$0x3FB3]  }
0x3d: {  	_ =	shalt  }
0x3e: {  	_ =	shalt  }
0x3f: {  	_ =	shalt  }
0x40: {  	_ =	shalt  }
0x41: {  	_ =	shalt  }
0x42: {  	_ =	shalt  }
0x43: {  	_ =	shalt  }
0x44: {  	_ =	shalt  }
0x45: {  	_ =	shalt  }
0x46: {  	_ =	shalt  }
0x47: {  	_ =	shalt  }
0x48: {  	_ =	shalt  }
0x49: {  	_ =	shalt  }
0x4a: {  	_ =	shalt  }
0x4b: {  	_ =	shalt  }
0x4c: {  	_ =	shalt  }
0x4d: {  	_ =	shalt  }
0x4e: {  	_ =	shalt  }
0x4f: {  	_ =	shalt  }
0x50: {  	_ =	shalt  }
0x51: {  	_ =	shalt  }
0x52: {  	_ =	shalt  }
0x53: {  	_ =	shalt  }
0x54: {  	_ =	shalt  }
0x55: {  	_ =	shalt  }
0x56: {  	_ =	shalt  }
0x57: {  	_ =	shalt  }
0x58: {  	_ =	shalt  }
0x59: {  	_ =	shalt  }
0x5a: {  	_ =	shalt  }
0x5b: {  	_ =	shalt  }
0x5c: {  	_ =	shalt  }
0x5d: {  	_ =	shalt  }
0x5e: {  	_ =	shalt  }
0x5f: {  	_ =	shalt  }
0x60: {  	_ =	shalt  }
0x61: {  	_ =	shalt  }
0x62: {  	_ =	shalt  }
0x63: {  	_ =	shalt  }
0x64: {  	_ =	shalt  }
0x65: {  	_ =	shalt  }
0x66: {  	_ =	shalt  }
0x67: {  	_ =	shalt  }
0x68: {  	_ =	shalt  }
0x69: {  	_ =	shalt  }
0x6a: {  	_ =	shalt  }
0x6b: {  	_ =	shalt  }
0x6c: {  	_ =	shalt  }
0x6d: {  	_ =	shalt  }
0x6e: {  	_ =	shalt  }
0x6f: {  	_ =	shalt  }
0x70: {  	_ =	shalt  }
0x71: {  	_ =	shalt  }
0x72: {  	_ =	shalt  }
0x73: {  	_ =	shalt  }
0x74: {  	_ =	shalt  }
0x75: {  	_ =	shalt  }
0x76: {  	_ =	shalt  }
0x77: {  	_ =	shalt  }
0x78: {  	_ =	shalt  }
0x79: {  	_ =	shalt  }
0x7a: {  	_ =	shalt  }
0x7b: {  	_ =	shalt  }
0x7c: {  	_ =	shalt  }
0x7d: {  	_ =	shalt  }
0x7e: {  	_ =	shalt  }
0x7f: {  	_ =	shalt  }
0x80: {  	_ =	shalt  }
0x81: {  	_ =	shalt  }
0x82: {  	_ =	shalt  }
0x83: {  	_ =	shalt  }
0x84: {  	_ =	shalt  }
0x85: {  	_ =	shalt  }
0x86: {  	_ =	shalt  }
0x87: {  	_ =	shalt  }
.Lfunc_end0:
.L_simem_size_0:
called_computation_lowered:
.L_overlay_start_0:
0x88: {  	s2 =	sld [smem:$0x3FD9]  }
0x89: {  	s3 =	sld [smem:$0x3FFE];
	_ =	sdelay $0x1  }
0x8a: {  	s1 =	srdreg.scid  }
0x8b: {  	s0 =	sand.u32 $0x1, s1  }
0x8c: {  	s16 =	sshll.u32 s0, $0xA;
	s2 =	sadd.s32 s3, s2  }
0x8d: {  	s2 =	sadd.s32 s2, s16  }
0x8e: {  	[smem:$0x3FBF] =	sst s2  }
0x8f: {  	_ = 	snop  }
0x90: {  	(tm) =	ssettm $0x1  }
0x91: {  	s17 =	sld [smem:$0x3FFB];
	_ =	sdelay $0x3  }
0x92: {  	_ =	strace s17  }
0x93: {  	s2 =	sld [smem:$0x3FFC];
	_ =	sdelay $0x3  }
0x94: {  	_ =	strace s2  }
0x95: {  	s2 =	sld [smem:$0x3FFD];
	_ =	sdelay $0x3  }
0x96: {  	_ =	strace s2  }
0x97: {  	_ =	strace $0x8FFFFFFF  }
0x98: {  	s18 =	sld [smem:$0x3FDB];
	_ =	sdelay $0x1  }
0x99: {  	s19 =	simm.s32 $_scs_section_size  }
0x9a: {  	s4 =	simm.s32 $_size__tile_overlayer_lowered;
	s5 =	simm.s32 $_tile_overlayer_lowered  }
0x9b: {  	s22 =	simm.s32 $0x1BFF;
	s21 =	sshll.u32 s5, $0x1;
	s2 =	sadd.s32 s19, s18  }
0x9c: {  	s6 =	simm.s32 $0x0;
	s20 =	sshll.u32 s4, $0x1;
	s4 =	sadd.s32 s21, s2  }
0x9d: {  	[timem:s6], [sflag:s22] =	dma.local [hbm:s4], s20  }
0x9e: {  	_ =	swait.ge [sflag:s22], s20  }
0x9f: {  	s3 =	ssub.s32 $0x0, s20;
	[sflag:s22] =	ssyncset.done $0x0  }
0xa0: {  	[sflag:s22] =	ssyncadd.s32 s3;
	_ =	sdelay $0x1  }
0xa1: {  	s23 =	simm.s32 $0x1B8B  }
0xa2: {  	_ =	swait.ge [sflag:s23], $0x1  }
0xa3: {  	[sflag:s23] =	ssyncset.done $0x0  }
0xa4: {  	s25 =	simm.s32 $0x1B8E;
	s24 =	sld [smem:$0x3FFE];
	[sflag:s23] =	ssyncadd.s32 $0xFFFFFFFF  }
0xa5: {  	s26 =	simm.s32 $execute0_lowered;
	[smem:$0x3FD2] =	sst s25  }
0xa6: {  	s4 =	sshll.u32 s26, $0x1;
	_ =	strace $0x80000046;
	[dreg:$0x1] =	wrdreg $0xFFFFFFFF  }
0xa7: {  	s28 =	simm.s32 $_size_execute0_lowered;
	s2 =	sadd.s32 s2, s4;
	[dreg:$0x0] =	wrdreg $0x0  }
0xa8: {  	s4 =	sshll.u32 s28, $0x1;
	[dreg:$0x2] =	wrdreg s2  }
0xa9: {  	[dreg:$0x3] =	wrdreg s4  }
0xaa: {  	[dreg:$0x4] =	wrdreg $0xC0  }
0xab: {  	_ =	task [dreg:s6], $0x5FFFF  }
0xac: {  	[dreg:$0x1] =	wrdreg $0xFFFFFFFF  }
0xad: {  	[dreg:$0x0] =	wrdreg $0x60  }
0xae: {  	[dreg:$0x2] =	wrdreg s24  }
0xaf: {  	[dreg:$0x3] =	wrdreg $0x92800  }
0xb0: {  	[dreg:$0x4] =	wrdreg $0x9  }
0xb1: {  	_ =	task.clear_ibuf [dreg:s6], $0x5FFFF;
	_ =	strace $0x90000046  }
0xb2: {  	s29 =	simm.s32 $0x9;
	_ =	strace $0x80000048  }
0xb3: {  	_ =	swait.ge [sflag:s29], $0x1  }
0xb4: {  	[sflag:s29] =	ssyncadd.s32 $0xFFFFFFFF  }
0xb5: {  	_ =	strace $0x90000048  }
0xb6: {  	_ =	sfence  }
0xb7: {  	s30 =	sld [smem:$0x0];
	_ =	sdelay $0x2  }
0xb8: {  	s31 =	sshll.u32 s1, $0xD;
	s1 =	sshrl.u32 s1, $0x2  }
0xb9: {  	s3 =	sand.u32 $0x4000, s31;
	s1 =	sadd.s32 s1, s30  }
0xba: {  	s0 =	sor.u32 s3, s0;
	s1 =	sshll.u32 s1, $0x11  }
0xbb: {  	s0 =	sor.u32 s1, s0  }
0xbc: {  	s0 =	sadd.s32 $0x8F2B, s0  }
0xbd: {  	[sflag:s0] =	ssyncadd.remote.s32 $0x1  }
0xbe: {  	_ =	sfence.sel $0xFFFF  }
0xbf: {  	[dreg:$0x0] =	wrdreg $0xFFFFFFFF;
	(pc) =	sbr.abs _section_cstart, $3  }
0xc0: {  	[dreg:$0x1] =	wrdreg $0xFFFFFFFF  }
0xc1: {  	_ =	task.clear_ibuf [dreg:s6], $0x2FFFF;
	_ =	strace $0x9FFFFFFF  }
0xc2: {  	(tm) =	ssettm $0x7FFFFFFF  }
0xc3: {  	_ =	shalt  }
tec
execute0_lowered:
.L_overlay_start_1:
0x0: {  	(tag) =	ssettag $0x1  }
0x1: {  	s3 =	rddreg [dreg:$0x0]  }
0x2: {  	s5 =	rddreg [dreg:$0x1]  }
0x3: {  	s0 =	rddreg [dreg:$0x2]  }
0x4: {  	s4 =	srdreg.scid;
	s1 =	stileid.u32  }
0x5: {  	s2 =	simm.s32 $0x0;
	s11 =	simm.s32 $0x400;
	s12 =	simm.s32 $0x1400  }
0x6: {  	s13 =	simm.s32 $0x14000;
	s14 =	simm.s32 $0x6A80;
	s15 =	simm.s32 $0x100  }
0x7: {  	s16 =	simm.s32 $0x6800;
	s17 =	simm.s32 $0x0;
	s4 =	sand.u32 $0x1, s4  }
0x8: {  	s6 =	smul.u32 $0x500, s1;
	[smem:$0x7FF] =	sst s2;
	s26 =	sshrl.u32 s1, $0x3  }
0x9: {  	s29 =	sshll.u32 s1, $0xC;
	s30 =	smul.u32 $0x5000, s1;
	s31 =	sshll.u32 s1, $0x7  }
0xa: {  	s7 =	sshll.u32 s4, $0xB;
	s8 =	sshll.u32 s4, $0x7;
	_ =	strace $0x80000047  }
0xb: {  	s4 =	ssub.s32 $0x2, s4;
	s7 =	sadd.s32 s7, s3;
	s6 =	sor.u32 s8, s6  }
0xc: {  	s28 =	sshrl.u32 s4, $0x1;
	s8 =	smul.u32 $0x50000, s26;
	s6 =	sshrl.u32 s6, $0x3  }
0xd: {  	s10 =	sshrl.u32 s30, $0x2;
	s9 =	ssub.s32 s4, s28;
	s6 =	sadd.s32 s6, s3  }
0xe: {  	s3 =	sadd.s32 s29, s7;
	s8 =	sshrl.u32 s8, $0x2;
	s7 =	sand.u32 $0x380, s31  }
0xf: {  	s8 =	sadd.s32 s8, s5;
	s3 =	sadd.s32 $0x3200, s3;
	s5 =	sadd.s32 s10, s5  }
0x10: {  	s6 =	sadd.s32 $0x13200, s6;
	s10 =	simm.s32 $0x80;
	s4 =	sadd.s32 s7, s8  }
0x11: {  	v0 =	vimm.f32 $0.0e+00;
	v1 =	vimm.f32 $1.000000000e+00;
	s7 =	smax.u32 s9, $0x1;
	s8 =	simm.s32 $0x1;
	s9 =	simm.s32 $0x4000  }
.LBB2_1:
0x12: {  	[tilespmem:s2], [sflag:$0x1] =	stream.linear.gather [hbm4b:s3+s2], $0x3E80, $0x38;
	[tilespmem:$0xBA80] =	vst v63  }
0x13: {  	_ =	swait.ge [sflag:s8], $0x3E80  }
0x14: {  	[sflag:s8] =	ssyncset.done $0x0  }
0x15: {  	s18 =	simm.s32 $0x0;
	[sflag:s8] =	ssyncadd.s32 $0xFFFFC180  }
.LBB2_2:
0x16: {  	p0 =	sne.s32 s18, $0x9FC0  }
.Ltmp0:
0x17: {  	_ = 	snop;
	(pc) =	sbr.rel @p0 .LBB2_2-.Ltmp0, $3  }
0x18: {  	_ =	sdelay $0x1  }
0x19: {  	s19 =	sshra.s32 s18, $0x2  }
0x1a: {  	s18 =	sadd.s32 $0x40, s18;
	[tilespmem:s19+$0x4000] =	vst v0  }
0x1b: {  	s18 =	simm.s32 $0x100  }
.LBB2_4:
0x1c: {  	s19 =	sshra.s32 s18, $0x2  }
0x1d: {  	v2 =	vld [tilespmem:s19+$0xFFFFFFC0];
	_ =	sdelay $0x7  }
0x1e: {  	[tilespmem:v2+s9+$0x0] =	vst.idx.add.f32.msk $0xffff, v1  }
0x1f: {  	v2 =	vld [tilespmem:s19+$0xFFFFFFD0];
	_ =	sdelay $0x7  }
0x20: {  	[tilespmem:v2+s9+$0x0] =	vst.idx.add.f32.msk $0xffff, v1  }
0x21: {  	v2 =	vld [tilespmem:s19+$0xFFFFFFE0];
	_ =	sdelay $0x7  }
0x22: {  	[tilespmem:v2+s9+$0x0] =	vst.idx.add.f32.msk $0xffff, v1  }
0x23: {  	v2 =	vld [tilespmem:s19+$0xFFFFFFF0];
	_ =	sdelay $0x7  }
0x24: {  	[tilespmem:v2+s9+$0x0] =	vst.idx.add.f32.msk $0xffff, v1  }
0x25: {  	v2 =	vld [tilespmem:s19+$0x0];
	_ =	sdelay $0x2  }
0x26: {  	p0 =	sne.s32 s18, $0xF900  }
.Ltmp1:
0x27: {  	_ = 	snop;
	(pc) =	sbr.rel @p0 .LBB2_4-.Ltmp1, $2  }
0x28: {  	_ =	sdelay $0x2  }
0x29: {  	s18 =	sadd.s32 $0x200, s18;
	[tilespmem:v2+s9+$0x0] =	vst.idx.add.f32.msk $0xffff, v1  }
0x2a: {  	[spmem:s4] =	stream.strided.scatter [tilespmem:s9], [sflag:$0x1], $0x2800, s11, s10, $0x38;
	[tilespmem:$0xBA80] =	vst v63  }
0x2b: {  	_ =	swait.ge [sflag:s8], $0x2800  }
0x2c: {  	[sflag:s8] =	ssyncset.done $0x0  }
0x2d: {  	[sflag:s8] =	ssyncadd.s32 $0xFFFFD800  }
0x2e: {  	[bflag:$0x0] =	sbarrier.arrive $0xFFFF  }
0x2f: {  	[tilespmem:s14], [sflag:$0x1] =	stream.strided.gather [spmem:s5], $0x2800, s13, s12, $0x38;
	[tilespmem:$0xBA80] =	vst v63  }
0x30: {  	s18 =	simm.s32 $0x0;
	_ =	swait.ge [sflag:s8], $0x2800  }
0x31: {  	s19 =	sand.u32 $0x70, s18;
	s18 =	sand.u32 $0x1C00, s18;
	[sflag:s8] =	ssyncset.done $0x0  }
0x32: {  	s18 =	sor.u32 s19, s18;
	[sflag:s8] =	ssyncadd.s32 $0xFFFFD800  }
0x33: {  	v2 =	vld [tilespmem:s18+$0x6A80];
	_ =	sdelay $0x1  }
0x34: {  	v3 =	vld [tilespmem:s18+$0x6B00];
	_ =	sdelay $0x1  }
0x35: {  	v4 =	vld [tilespmem:s18+$0x6B80]  }
0x36: {  	v2 =	vadd.f32 $0.0e+00, v2  }
0x37: {  	v5 =	vld [tilespmem:s18+$0x6C00]  }
0x38: {  	v2 =	vadd.f32 v3, v2  }
0x39: {  	v3 =	vld [tilespmem:s18+$0x6C80]  }
0x3a: {  	v2 =	vadd.f32 v4, v2  }
0x3b: {  	v56 =	vld [tilespmem:s18+$0x6D00]  }
0x3c: {  	v2 =	vadd.f32 v5, v2  }
0x3d: {  	v57 =	vld [tilespmem:s18+$0x6D80]  }
0x3e: {  	v2 =	vadd.f32 v3, v2  }
0x3f: {  	v3 =	vld [tilespmem:s18+$0x6E00]  }
0x40: {  	v2 =	vadd.f32 v56, v2  }
0x41: {  	v58 =	vld [tilespmem:s18+$0x7E80]  }
0x42: {  	v2 =	vadd.f32 v57, v2  }
0x43: {  	v59 =	vld [tilespmem:s18+$0x7F00]  }
0x44: {  	v2 =	vadd.f32 v3, v2  }
0x45: {  	v3 =	vld [tilespmem:s18+$0x7F80]  }
0x46: {  	v2 =	vadd.f32 v58, v2  }
0x47: {  	v60 =	vld [tilespmem:s18+$0x8000]  }
0x48: {  	v2 =	vadd.f32 v59, v2  }
0x49: {  	v61 =	vld [tilespmem:s18+$0x8080]  }
0x4a: {  	v2 =	vadd.f32 v3, v2  }
0x4b: {  	v3 =	vld [tilespmem:s18+$0x8100]  }
0x4c: {  	v2 =	vadd.f32 v60, v2  }
0x4d: {  	v62 =	vld [tilespmem:s18+$0x8180]  }
0x4e: {  	v2 =	vadd.f32 v61, v2  }
0x4f: {  	v63 =	vld [tilespmem:s18+$0x8200]  }
0x50: {  	v2 =	vadd.f32 v3, v2;
	_ =	sdelay $0x1  }
0x51: {  	v2 =	vadd.f32 v62, v2  }
0x52: {  	s20 =	simm.s32 $0x10  }
0x53: {  	s21 =	sand.u32 $0x70, s20;
	s19 =	simm.s32 $0x80;
	v2 =	vadd.f32 v63, v2  }
0x54: {  	s20 =	simm.s32 $0x20;
	s22 =	sand.u32 $0x1C00, s19;
	s18 =	simm.s32 $0x6800  }
.LBB2_6:
0x55: {  	p0 =	sne.s32 s20, $0x270;
	s21 =	sor.u32 s21, s22;
	[tilespmem:s18+$0x0] =	vst v2  }
0x56: {  	v2 =	vld [tilespmem:s21+$0x6A80];
	_ =	sdelay $0x1  }
0x57: {  	v3 =	vld [tilespmem:s21+$0x6B00];
	_ =	sdelay $0x1  }
0x58: {  	v4 =	vld [tilespmem:s21+$0x6B80]  }
0x59: {  	v2 =	vadd.f32 $0.0e+00, v2  }
0x5a: {  	v5 =	vld [tilespmem:s21+$0x6C00]  }
0x5b: {  	v2 =	vadd.f32 v3, v2  }
0x5c: {  	v3 =	vld [tilespmem:s21+$0x6C80]  }
0x5d: {  	v2 =	vadd.f32 v4, v2  }
0x5e: {  	v4 =	vld [tilespmem:s21+$0x6D00]  }
0x5f: {  	v2 =	vadd.f32 v5, v2  }
0x60: {  	v5 =	vld [tilespmem:s21+$0x6D80]  }
0x61: {  	v2 =	vadd.f32 v3, v2  }
0x62: {  	v3 =	vld [tilespmem:s21+$0x6E00]  }
0x63: {  	v2 =	vadd.f32 v4, v2  }
0x64: {  	v4 =	vld [tilespmem:s21+$0x7E80]  }
0x65: {  	v2 =	vadd.f32 v5, v2  }
0x66: {  	v5 =	vld [tilespmem:s21+$0x7F00]  }
0x67: {  	v2 =	vadd.f32 v3, v2  }
0x68: {  	v3 =	vld [tilespmem:s21+$0x7F80]  }
0x69: {  	v2 =	vadd.f32 v4, v2  }
0x6a: {  	v4 =	vld [tilespmem:s21+$0x8000]  }
0x6b: {  	v2 =	vadd.f32 v5, v2  }
0x6c: {  	v5 =	vld [tilespmem:s21+$0x8080]  }
0x6d: {  	v2 =	vadd.f32 v3, v2  }
0x6e: {  	v3 =	vld [tilespmem:s21+$0x8100]  }
0x6f: {  	v2 =	vadd.f32 v4, v2  }
0x70: {  	v4 =	vld [tilespmem:s21+$0x8180]  }
0x71: {  	v2 =	vadd.f32 v5, v2  }
0x72: {  	v5 =	vld [tilespmem:s21+$0x8200]  }
0x73: {  	v2 =	vadd.f32 v3, v2  }
.Ltmp2:
0x74: {  	(pc) =	sbr.rel @p0 .LBB2_6-.Ltmp2, $3  }
0x75: {  	v2 =	vadd.f32 v4, v2;
	_ =	sdelay $0x1  }
0x76: {  	s19 =	sadd.s32 $0x80, s19;
	s18 =	sadd.s32 $0x10, s18;
	v2 =	vadd.f32 v5, v2  }
0x77: {  	s22 =	sand.u32 $0x1C00, s19;
	s21 =	sand.u32 $0x70, s20;
	s20 =	sadd.s32 $0x10, s20  }
0x78: {  	s19 =	sor.u32 s21, s22;
	[tilespmem:s18+$0x0] =	vst v2  }
0x79: {  	v2 =	vld [tilespmem:s19+$0x6A80];
	_ =	sdelay $0x1  }
0x7a: {  	v3 =	vld [tilespmem:s19+$0x6B00];
	_ =	sdelay $0x1  }
0x7b: {  	v4 =	vld [tilespmem:s19+$0x6B80]  }
0x7c: {  	v2 =	vadd.f32 $0.0e+00, v2  }
0x7d: {  	v5 =	vld [tilespmem:s19+$0x6C00]  }
0x7e: {  	v2 =	vadd.f32 v3, v2  }
0x7f: {  	v3 =	vld [tilespmem:s19+$0x6C80]  }
0x80: {  	v2 =	vadd.f32 v4, v2  }
0x81: {  	v56 =	vld [tilespmem:s19+$0x6D00]  }
0x82: {  	v2 =	vadd.f32 v5, v2  }
0x83: {  	v57 =	vld [tilespmem:s19+$0x6D80]  }
0x84: {  	v2 =	vadd.f32 v3, v2  }
0x85: {  	v3 =	vld [tilespmem:s19+$0x6E00]  }
0x86: {  	v2 =	vadd.f32 v56, v2  }
0x87: {  	v58 =	vld [tilespmem:s19+$0x7E80]  }
0x88: {  	v2 =	vadd.f32 v57, v2  }
0x89: {  	v59 =	vld [tilespmem:s19+$0x7F00]  }
0x8a: {  	v2 =	vadd.f32 v3, v2  }
0x8b: {  	v3 =	vld [tilespmem:s19+$0x7F80]  }
0x8c: {  	v2 =	vadd.f32 v58, v2  }
0x8d: {  	v60 =	vld [tilespmem:s19+$0x8000]  }
0x8e: {  	v2 =	vadd.f32 v59, v2  }
0x8f: {  	v61 =	vld [tilespmem:s19+$0x8080]  }
0x90: {  	v2 =	vadd.f32 v3, v2  }
0x91: {  	v3 =	vld [tilespmem:s19+$0x8100]  }
0x92: {  	v2 =	vadd.f32 v60, v2  }
0x93: {  	v62 =	vld [tilespmem:s19+$0x8180]  }
0x94: {  	v2 =	vadd.f32 v61, v2  }
0x95: {  	v63 =	vld [tilespmem:s19+$0x8200]  }
0x96: {  	v2 =	vadd.f32 v3, v2;
	_ =	sdelay $0x1  }
0x97: {  	v2 =	vadd.f32 v62, v2;
	_ =	sdelay $0x1  }
0x98: {  	s17 =	sadd.s32 $0x1, s17;
	v2 =	vadd.f32 v63, v2  }
0x99: {  	s31 =	sadd.s32 $0x10, s18;
	p0 =	sne.s32 s17, s7  }
.Ltmp3:
0x9a: {  	[tilespmem:s31+$0x0] =	vst v2;
	(pc) =	sbr.rel @p0 .LBB2_1-.Ltmp3, $4  }
0x9b: {  	[hbm4b:s6+s10] =	stream.strided.scatter [tilespmem:s16], [sflag:$0x1], $0x280, s15, s10, $0x38;
	[tilespmem:$0xBA80] =	vst v63  }
0x9c: {  	_ =	swait.ge [sflag:s8], $0x280  }
0x9d: {  	[sflag:s8] =	ssyncset.done $0x0  }
0x9e: {  	[sflag:s8] =	ssyncadd.s32 $0xFFFFFD80  }
0x9f: {  	_ =	sfence.sel $0x180000  }
0xa0: {  	[bflag:$0x0] =	sbarrier.arrive $0xFFFF  }
0xa1: {  	p0 =	sne.s32 s1, $0x0;
	_ =	strace $0x90000047  }
0xa2: {  	s0 =	sadd.s32 @!p0 $0x100000, s0;
	[bflag:$0x2] =	sbarrier.arrive $0xFFFF  }
0xa3: {  	[sflag:s0] =	ssyncadd.tile.s32 @!p0 $0x1;
	_ =	shalt  }
.Lfunc_end2:
_tile_overlayer_lowered:
.L_overlay_start_2:
0xa4: {  	(tag) =	ssettag $0x2  }
0xa5: {  	s0 =	rddreg [dreg:$0x0];
	s2 =	stileid.u32  }
0xa6: {  	s1 =	rddreg [dreg:$0x1];
	p0 =	sne.s32 s2, $0x0  }
0xa7: {  	s3 =	rddreg [dreg:$0x2];
	[bflag:$0x3] =	sbarrier.arrive $0xFFFF;
	s2 =	simm.s32 @!p0 $0x1C01  }
0xa8: {  	[timem:s3], [sflag:s2] =	dma.local @!p0 [hbm:s0], s1  }
0xa9: {  	s0 =	simm.s32 @!p0 $0x1  }
0xaa: {  	_ =	swait.ge @!p0 [sflag:s0], s1  }
0xab: {  	s1 =	ssub.s32 @!p0 $0x0, s1;
	[sflag:s0] =	ssyncset.done @!p0 $0x0  }
0xac: {  	[sflag:s0] =	ssyncadd.s32 @!p0 s1  }
0xad: {  	[bflag:$0x3] =	sbarrier.arrive $0xFFFF  }
0xae: {  	_ =	shalt  }

</sc_bundles>
